<compile_context>
chip_gen: v7x
topology: tpu7x:2x2x1
jax: 0.10.2.dev20260603
libtpu: 0.0.44.dev20260713+nightly
codegen_flags: <defaults>
</compile_context>

<pallas_src>
import jax
import jax.numpy as jnp
from jax import lax
from jax.experimental import pallas as pl
from jax.experimental.pallas import tpu as pltpu
from jax.experimental.pallas import tpu_sc as plsc

N = 10000
E = 320000
NC = 2
NS = 16
NW = NC * NS
EPW = E // NW
K = 80
C = EPW // K
SPT = 632
ACCN = NS * SPT


def _sc_agg(F):
    mesh = plsc.VectorSubcoreMesh(core_axis_name="c", subcore_axis_name="s")

    def body(g_hbm, src_hbm, dst_hbm, zero_hbm, out_hbm, sidx, didx, rows, acc, sem):
        c = lax.axis_index("c")
        s = lax.axis_index("s")
        w = c * NS + s
        pltpu.sync_copy(src_hbm.at[w], sidx)
        pltpu.sync_copy(dst_hbm.at[w], didx)
        r0 = s * SPT
        pltpu.sync_copy(zero_hbm, acc.at[pl.ds(r0, SPT)])
        plsc.subcore_barrier()

        def chunk(j, carry):
            pltpu.async_copy(g_hbm.at[sidx.at[j]], rows, sem).wait()
            pltpu.sync_copy(rows, acc.at[didx.at[j]], add=True)
            return carry

        lax.fori_loop(0, C, chunk, 0)
        plsc.subcore_barrier()
        pltpu.sync_copy(acc.at[pl.ds(r0, SPT)], out_hbm.at[c, pl.ds(r0, SPT)])

    return pl.kernel(
        body,
        out_type=jax.ShapeDtypeStruct((NC, ACCN, F), jnp.float32),
        mesh=mesh,
        scratch_types=[
            pltpu.VMEM((C, K), jnp.int32),
            pltpu.VMEM((C, K), jnp.int32),
            pltpu.VMEM((K, F), jnp.float32),
            pltpu.VMEM_SHARED((ACCN, F), jnp.float32),
            pltpu.SemaphoreType.DMA,
        ],
        compiler_params=pltpu.CompilerParams(use_tc_tiling_on_sc=False),
        name=f"sc_agg_f{F}",
    )


def _prep_body(p0, h0p, dinv, g1):
    deg = p0[0, :N, 0:1] + p0[1, :N, 0:1] + 1.0
    dv = lax.rsqrt(deg)
    dinv[...] = dv
    g1[...] = dv * h0p[...]


def _layer_body(p, g, dinv, w, b, gout):
    dv = dinv[...]
    a = dv * (p[0, :N] + p[1, :N] + g[...])
    h = jnp.maximum(jnp.dot(a, w[...], preferred_element_type=jnp.float32) + b[...], 0.0)
    gout[...] = dv * h


def _layer2_body(p, g, dinv, w2, b2, w3, ga, gb):
    dv = dinv[...]
    a = dv * (p[0, :N] + p[1, :N] + g[...])
    h = jnp.maximum(jnp.dot(a, w2[...], preferred_element_type=jnp.float32) + b2[...], 0.0)
    hw = jnp.dot(h, w3[...], preferred_element_type=jnp.float32)
    ga[...] = dv * hw[:, :128]
    gb[...] = dv * hw[:, 128:]


def _bn(t, gamma, beta, eps=1e-5):
    m = jnp.mean(t, axis=0, keepdims=True)
    v = jnp.mean((t - m) ** 2, axis=0, keepdims=True)
    return gamma * (t - m) / jnp.sqrt(v + eps) + beta


def _h3_body(pa, pb, ga, gb, dinv, b3, h3):
    dv = dinv[...]
    agg = jnp.concatenate(
        [dv * (pa[0, :N] + pa[1, :N] + ga[...]),
         dv * (pb[0, :N] + pb[1, :N] + gb[...])], axis=1)
    h3[...] = jnp.maximum(agg + b3[...], 0.0)


def _tail_body(h3, cw1, cb1, gm1, be1, cw2, cb2, gm2, be2,
               fw, fb, fg, fbe, dw1, db1, dw2, db2, dw3, db3, out):
    h = h3[...]
    t = jnp.maximum(_bn(jnp.dot(h, cw1[...], preferred_element_type=jnp.float32) + cb1[...],
                        gm1[...], be1[...]), 0.0)
    t = jnp.maximum(_bn(jnp.dot(t, cw2[...], preferred_element_type=jnp.float32) + cb2[...],
                        gm2[...], be2[...]), 0.0)
    f = _bn(jnp.dot(t, fw[...], preferred_element_type=jnp.float32) + fb[...],
            fg[...], fbe[...])
    z = jnp.max(f, axis=0, keepdims=True)
    o = jnp.maximum(jnp.dot(z, dw1[...], preferred_element_type=jnp.float32) + db1[...], 0.0)
    o = jnp.maximum(jnp.dot(o, dw2[...], preferred_element_type=jnp.float32) + db2[...], 0.0)
    out[...] = jnp.dot(o, dw3[...], preferred_element_type=jnp.float32) + db3[...]


def _tc(fn, out_shape):
    return pl.pallas_call(fn, out_shape=out_shape)


def kernel(x, edge_index, w1, b1, w2, b2, w3, b3, cw1, cb1, g1, be1, cw2, cb2,
           g2, be2, fw, fb, fg, fbe, dw1, db1, dw2, db2, dw3, db3):
    f32 = jnp.float32
    srcw = edge_index[0].reshape(NW, C, K)
    dstw = edge_index[1].reshape(NW, C, K)
    h0p = jnp.pad(x[0].T, ((0, 0), (0, 6)))
    w1p = jnp.pad(w1, ((0, 6), (0, 0)))
    ones_tab = jnp.zeros((N, 8), f32).at[:, 0].set(1.0)
    z8 = jnp.zeros((SPT, 8), f32)
    z64 = jnp.zeros((SPT, 64), f32)
    z128 = jnp.zeros((SPT, 128), f32)

    p0 = _sc_agg(8)(ones_tab, srcw, dstw, z8)
    dinv, gg1 = _tc(_prep_body, (jax.ShapeDtypeStruct((N, 1), f32),
                                 jax.ShapeDtypeStruct((N, 8), f32)))(p0, h0p)

    p1 = _sc_agg(8)(gg1, srcw, dstw, z8)
    gg2 = _tc(_layer_body, jax.ShapeDtypeStruct((N, 64), f32))(
        p1, gg1, dinv, w1p, b1.reshape(1, -1))

    p2 = _sc_agg(64)(gg2, srcw, dstw, z64)
    g4a, g4b = _tc(_layer2_body, (jax.ShapeDtypeStruct((N, 128), f32),
                                  jax.ShapeDtypeStruct((N, 128), f32)))(
        p2, gg2, dinv, w2, b2.reshape(1, -1), w3)

    p3a = _sc_agg(128)(g4a, srcw, dstw, z128)
    p3b = _sc_agg(128)(g4b, srcw, dstw, z128)
    h3 = _tc(_h3_body, jax.ShapeDtypeStruct((N, 256), f32))(
        p3a, p3b, g4a, g4b, dinv, b3.reshape(1, -1))
    o = _tc(_tail_body, jax.ShapeDtypeStruct((1, 4096), f32))(
        h3,
        cw1, cb1.reshape(1, -1), g1.reshape(1, -1), be1.reshape(1, -1),
        cw2, cb2.reshape(1, -1), g2.reshape(1, -1), be2.reshape(1, -1),
        fw, fb.reshape(1, -1), fg.reshape(1, -1), fbe.reshape(1, -1),
        dw1, db1.reshape(1, -1), dw2, db2.reshape(1, -1), dw3, db3.reshape(1, -1))
    return o.reshape(-1, 2048, 2)

# --- scband reference (transcript-rebuilt; emitter-appended) ---
"""Pipeline reference for scband-point-cloud-ae-51642686767301 (READ-ONLY COPY).

The authoritative reference and input builder live on the scoring server;
editing this copy changes nothing except your own understanding.
"""

import jax, jax.numpy as jnp
import numpy as np

N = 10000
E = 320000
HID = 256
LAT = 128
PS = 2048


def _w(k, shape):
    fan_in = shape[0]
    return jax.random.normal(k, shape, dtype=jnp.float32) / np.sqrt(fan_in)


def setup_inputs(seed: int = 0):
    key = jax.random.key(seed)
    ks = jax.random.split(key, 32)
    d = {}
    d['x'] = jax.random.normal(ks[0], (1, 2, N), dtype=jnp.float32)
    d['edge_index'] = jax.random.randint(ks[1], (2, E), 0, N, dtype=jnp.int32)
    # GCN layers: 2->64, 64->128, 128->256
    d['w1'] = _w(ks[2], (2, HID // 4)); d['b1'] = jnp.zeros((HID // 4,), jnp.float32)
    d['w2'] = _w(ks[3], (HID // 4, HID // 2)); d['b2'] = jnp.zeros((HID // 2,), jnp.float32)
    d['w3'] = _w(ks[4], (HID // 2, HID)); d['b3'] = jnp.zeros((HID,), jnp.float32)
    # conv1d (kernel=1) layers 256->256 with batchnorm
    d['cw1'] = _w(ks[5], (HID, HID)); d['cb1'] = jnp.zeros((HID,), jnp.float32)
    d['g1'] = jnp.ones((HID,), jnp.float32); d['be1'] = jnp.zeros((HID,), jnp.float32)
    d['cw2'] = _w(ks[6], (HID, HID)); d['cb2'] = jnp.zeros((HID,), jnp.float32)
    d['g2'] = jnp.ones((HID,), jnp.float32); d['be2'] = jnp.zeros((HID,), jnp.float32)
    # final conv 256->128 with batchnorm
    d['fw'] = _w(ks[7], (HID, LAT)); d['fb'] = jnp.zeros((LAT,), jnp.float32)
    d['fg'] = jnp.ones((LAT,), jnp.float32); d['fbe'] = jnp.zeros((LAT,), jnp.float32)
    # decoder MLP 128->256->256->PS*2
    d['dw1'] = _w(ks[8], (LAT, HID)); d['db1'] = jnp.zeros((HID,), jnp.float32)
    d['dw2'] = _w(ks[9], (HID, HID)); d['db2'] = jnp.zeros((HID,), jnp.float32)
    d['dw3'] = _w(ks[10], (HID, PS * 2)); d['db3'] = jnp.zeros((PS * 2,), jnp.float32)
    return d


def gcn_conv(h, src, dst, W, b, n):
    # PyG GCNConv: lin -> add self loops -> sym norm -> scatter-add -> +bias
    h = h @ W
    loop = jnp.arange(n, dtype=src.dtype)
    s = jnp.concatenate([src, loop])
    t = jnp.concatenate([dst, loop])
    deg = jnp.zeros((n,), h.dtype).at[t].add(1.0)
    dinv = jnp.where(deg > 0, 1.0 / jnp.sqrt(deg), 0.0)
    norm = dinv[s] * dinv[t]
    msg = h[s] * norm[:, None]
    out = jnp.zeros_like(h).at[t].add(msg)
    return out + b


def batchnorm(h, gamma, beta, eps=1e-5):
    # h: [C, N]; training-mode BN over the N axis per channel (batch=1)
    mean = h.mean(axis=1, keepdims=True)
    var = ((h - mean) ** 2).mean(axis=1, keepdims=True)
    return gamma[:, None] * (h - mean) / jnp.sqrt(var + eps) + beta[:, None]


def reference(x, edge_index, w1, b1, w2, b2, w3, b3, cw1, cb1, g1, be1, cw2, cb2, g2, be2, fw, fb, fg, fbe, dw1, db1, dw2, db2, dw3, db3):
    src, dst = edge_index[0], edge_index[1]
    h = x[0].T  # [N, 2]
    h = jax.nn.relu(gcn_conv(h, src, dst, w1, b1, N))
    h = jax.nn.relu(gcn_conv(h, src, dst, w2, b2, N))
    h = jax.nn.relu(gcn_conv(h, src, dst, w3, b3, N))
    h = h.T  # [256, N]
    h = jax.nn.relu(batchnorm(cw1.T @ h + cb1[:, None], g1, be1))
    h = jax.nn.relu(batchnorm(cw2.T @ h + cb2[:, None], g2, be2))
    h = batchnorm(fw.T @ h + fb[:, None], fg, fbe)  # [128, N]
    z = jnp.max(h, axis=1).reshape(1, LAT)
    o = jax.nn.relu(z @ dw1 + db1)
    o = jax.nn.relu(o @ dw2 + db2)
    o = o @ dw3 + db3
    return o.reshape(-1, PS, 2)

if __name__ == "__main__":
    import jax
    _d = setup_inputs()
    print(jax.jit(kernel)(*tuple(_d.values())))

</pallas_src>

<mosaic_0001>
#map = affine_map<(d0, d1) -> (0, 0)>
#map1 = affine_map<(d0, d1) -> (0, 0, 0)>
module attributes {stable_mosaic.version = 14 : i64} {
  func.func @sc_agg_f8(%arg0: i32, %arg1: i32, %arg2: memref<10000x8xf32, #tpu.memory_space<hbm>>, %arg3: memref<32x125x80xi32, #tpu.memory_space<hbm>>, %arg4: memref<32x125x80xi32, #tpu.memory_space<hbm>>, %arg5: memref<632x8xf32, #tpu.memory_space<hbm>>, %arg6: memref<2x10112x8xf32, #tpu.memory_space<hbm>>, %arg7: memref<125x80xi32, #tpu.memory_space<vmem>>, %arg8: memref<125x80xi32, #tpu.memory_space<vmem>>, %arg9: memref<80x8xf32, #tpu.memory_space<vmem>>, %arg10: memref<10112x8xf32, #tpu.memory_space<vmem_shared>>, %arg11: memref<!tpu.dma_semaphore, #tpu.memory_space<semaphore_mem>>) attributes {dimension_semantics = [#tpu.dimension_semantics<core_parallel>, #tpu.dimension_semantics<subcore_parallel>], iteration_bounds = array<i64: 2, 16>, scalar_prefetch = 0 : i64, scratch_operands = 5 : i64, tpu.core_type = #tpu.core_type<sc_vector_subcore>, window_params = [{transform_indices = #map}, {transform_indices = #map1}, {transform_indices = #map1}, {transform_indices = #map}, {transform_indices = #map1}]} {
    %mul3A = arith.constant 16 : i32
    %mul3A_0 = arith.muli %arg0, %mul3A : i32
    %add3A = arith.addi %mul3A_0, %arg1 : i32
    "tpu.region"() ({
      %run_scoped3A = tpu.sem_alloc : memref<!tpu.dma_semaphore, #tpu.memory_space<semaphore_mem>>
      %dma_start3A = arith.constant 0 : i32
      %dma_start3A_9 = arith.constant 0 : i32
      %dma_start3A_10 = tpu.memref_slice %arg3[%add3A, %dma_start3A, %dma_start3A_9] : memref<32x125x80xi32, #tpu.memory_space<hbm>> -> memref<1x125x80xi32, #tpu.memory_space<hbm>>
      %dma_start3A_11 = tpu.memref_squeeze %dma_start3A_10 : memref<1x125x80xi32, #tpu.memory_space<hbm>> -> memref<125x80xi32, #tpu.memory_space<hbm>>
      %dma_start3A_12 = arith.constant 0 : i32
      %dma_start3A_13 = arith.constant 0 : i32
      %dma_start3A_14 = tpu.memref_slice %arg3[%add3A, %dma_start3A_12, %dma_start3A_13] : memref<32x125x80xi32, #tpu.memory_space<hbm>> -> memref<1x125x80xi32, #tpu.memory_space<hbm>>
      %dma_start3A_15 = tpu.memref_squeeze %dma_start3A_14 : memref<1x125x80xi32, #tpu.memory_space<hbm>> -> memref<125x80xi32, #tpu.memory_space<hbm>>
      tpu.enqueue_dma source(%dma_start3A_15 : memref<125x80xi32, #tpu.memory_space<hbm>>) target(%arg7 : memref<125x80xi32, #tpu.memory_space<vmem>>) target_semaphore(%run_scoped3A : memref<!tpu.dma_semaphore, #tpu.memory_space<semaphore_mem>>)
      %dma_wait3A = arith.constant 0 : i32
      %dma_wait3A_16 = arith.constant 0 : i32
      %dma_wait3A_17 = tpu.memref_slice %arg3[%add3A, %dma_wait3A, %dma_wait3A_16] : memref<32x125x80xi32, #tpu.memory_space<hbm>> -> memref<1x125x80xi32, #tpu.memory_space<hbm>>
      %dma_wait3A_18 = tpu.memref_squeeze %dma_wait3A_17 : memref<1x125x80xi32, #tpu.memory_space<hbm>> -> memref<125x80xi32, #tpu.memory_space<hbm>>
      %dma_wait3A_19 = arith.constant 0 : i32
      %dma_wait3A_20 = arith.constant 0 : i32
      %dma_wait3A_21 = tpu.memref_slice %arg3[%add3A, %dma_wait3A_19, %dma_wait3A_20] : memref<32x125x80xi32, #tpu.memory_space<hbm>> -> memref<1x125x80xi32, #tpu.memory_space<hbm>>
      %dma_wait3A_22 = tpu.memref_squeeze %dma_wait3A_21 : memref<1x125x80xi32, #tpu.memory_space<hbm>> -> memref<125x80xi32, #tpu.memory_space<hbm>>
      tpu.wait_dma2 semaphore(%run_scoped3A : memref<!tpu.dma_semaphore, #tpu.memory_space<semaphore_mem>>) src(%dma_wait3A_22 : memref<125x80xi32, #tpu.memory_space<hbm>>) dst(%arg7 : memref<125x80xi32, #tpu.memory_space<vmem>>)
      tpu.yield
    }) : () -> ()
    "tpu.region"() ({
      %run_scoped3A = tpu.sem_alloc : memref<!tpu.dma_semaphore, #tpu.memory_space<semaphore_mem>>
      %dma_start3A = arith.constant 0 : i32
      %dma_start3A_9 = arith.constant 0 : i32
      %dma_start3A_10 = tpu.memref_slice %arg4[%add3A, %dma_start3A, %dma_start3A_9] : memref<32x125x80xi32, #tpu.memory_space<hbm>> -> memref<1x125x80xi32, #tpu.memory_space<hbm>>
      %dma_start3A_11 = tpu.memref_squeeze %dma_start3A_10 : memref<1x125x80xi32, #tpu.memory_space<hbm>> -> memref<125x80xi32, #tpu.memory_space<hbm>>
      %dma_start3A_12 = arith.constant 0 : i32
      %dma_start3A_13 = arith.constant 0 : i32
      %dma_start3A_14 = tpu.memref_slice %arg4[%add3A, %dma_start3A_12, %dma_start3A_13] : memref<32x125x80xi32, #tpu.memory_space<hbm>> -> memref<1x125x80xi32, #tpu.memory_space<hbm>>
      %dma_start3A_15 = tpu.memref_squeeze %dma_start3A_14 : memref<1x125x80xi32, #tpu.memory_space<hbm>> -> memref<125x80xi32, #tpu.memory_space<hbm>>
      tpu.enqueue_dma source(%dma_start3A_15 : memref<125x80xi32, #tpu.memory_space<hbm>>) target(%arg8 : memref<125x80xi32, #tpu.memory_space<vmem>>) target_semaphore(%run_scoped3A : memref<!tpu.dma_semaphore, #tpu.memory_space<semaphore_mem>>)
      %dma_wait3A = arith.constant 0 : i32
      %dma_wait3A_16 = arith.constant 0 : i32
      %dma_wait3A_17 = tpu.memref_slice %arg4[%add3A, %dma_wait3A, %dma_wait3A_16] : memref<32x125x80xi32, #tpu.memory_space<hbm>> -> memref<1x125x80xi32, #tpu.memory_space<hbm>>
      %dma_wait3A_18 = tpu.memref_squeeze %dma_wait3A_17 : memref<1x125x80xi32, #tpu.memory_space<hbm>> -> memref<125x80xi32, #tpu.memory_space<hbm>>
      %dma_wait3A_19 = arith.constant 0 : i32
      %dma_wait3A_20 = arith.constant 0 : i32
      %dma_wait3A_21 = tpu.memref_slice %arg4[%add3A, %dma_wait3A_19, %dma_wait3A_20] : memref<32x125x80xi32, #tpu.memory_space<hbm>> -> memref<1x125x80xi32, #tpu.memory_space<hbm>>
      %dma_wait3A_22 = tpu.memref_squeeze %dma_wait3A_21 : memref<1x125x80xi32, #tpu.memory_space<hbm>> -> memref<125x80xi32, #tpu.memory_space<hbm>>
      tpu.wait_dma2 semaphore(%run_scoped3A : memref<!tpu.dma_semaphore, #tpu.memory_space<semaphore_mem>>) src(%dma_wait3A_22 : memref<125x80xi32, #tpu.memory_space<hbm>>) dst(%arg8 : memref<125x80xi32, #tpu.memory_space<vmem>>)
      tpu.yield
    }) : () -> ()
    %mul3A_1 = arith.constant 632 : i32
    %mul3A_2 = arith.muli %arg1, %mul3A_1 : i32
    "tpu.region"() ({
      %run_scoped3A = tpu.sem_alloc : memref<!tpu.dma_semaphore, #tpu.memory_space<semaphore_mem>>
      %dma_start3A = arith.constant 0 : i32
      %dma_start3A_9 = tpu.memref_slice %arg10[%mul3A_2, %dma_start3A] : memref<10112x8xf32, #tpu.memory_space<vmem_shared>> -> memref<632x8xf32, #tpu.memory_space<vmem_shared>>
      tpu.enqueue_dma source(%arg5 : memref<632x8xf32, #tpu.memory_space<hbm>>) target(%dma_start3A_9 : memref<632x8xf32, #tpu.memory_space<vmem_shared>>) target_semaphore(%run_scoped3A : memref<!tpu.dma_semaphore, #tpu.memory_space<semaphore_mem>>)
      %dma_wait3A = arith.constant 0 : i32
      %dma_wait3A_10 = tpu.memref_slice %arg10[%mul3A_2, %dma_wait3A] : memref<10112x8xf32, #tpu.memory_space<vmem_shared>> -> memref<632x8xf32, #tpu.memory_space<vmem_shared>>
      tpu.wait_dma2 semaphore(%run_scoped3A : memref<!tpu.dma_semaphore, #tpu.memory_space<semaphore_mem>>) src(%arg5 : memref<632x8xf32, #tpu.memory_space<hbm>>) dst(%dma_wait3A_10 : memref<632x8xf32, #tpu.memory_space<vmem_shared>>)
      tpu.yield
    }) : () -> ()
    %barrier3A = arith.constant 0 : index
    tpu.barrier barrier_id(%barrier3A)
    %scan3A = arith.constant 0 : i32
    %scan3A_3 = arith.constant 0 : i32
    %scan3A_4 = arith.constant 125 : i32
    %scan3A_5 = arith.addi %scan3A_3, %scan3A_4 : i32
    %scan3A_6 = arith.constant 1 : i32
    scf.for %scan3A_9 = %scan3A_3 to %scan3A_5 step %scan3A_6  : i32 {
      %dma_start3A = arith.constant 0 : i32
      %dma_start3A_10 = tpu.memref_slice %arg7[%scan3A_9, %dma_start3A] : memref<125x80xi32, #tpu.memory_space<vmem>> -> memref<1x80xi32, #tpu.memory_space<vmem>>
      %dma_start3A_11 = tpu.memref_squeeze %dma_start3A_10 : memref<1x80xi32, #tpu.memory_space<vmem>> -> memref<80xi32, #tpu.memory_space<vmem>>
      %dma_start3A_12 = arith.constant 0 : i32
      %dma_start3A_13 = arith.constant 0 : i32
      %dma_start3A_14 = tpu.memref_slice %arg2[%dma_start3A_12, %dma_start3A_13] : memref<10000x8xf32, #tpu.memory_space<hbm>> -> memref<10000x8xf32, #tpu.memory_space<hbm>>
      tpu.enqueue_indirect_dma source(%dma_start3A_14 : memref<10000x8xf32, #tpu.memory_space<hbm>>) target(%arg9 : memref<80x8xf32, #tpu.memory_space<vmem>>) offsets(%dma_start3A_11 : memref<80xi32, #tpu.memory_space<vmem>>) semaphore(%arg11 : memref<!tpu.dma_semaphore, #tpu.memory_space<semaphore_mem>>)
      %dma_wait3A = arith.constant 0 : i32
      %dma_wait3A_15 = tpu.memref_slice %arg7[%scan3A_9, %dma_wait3A] : memref<125x80xi32, #tpu.memory_space<vmem>> -> memref<1x80xi32, #tpu.memory_space<vmem>>
      %dma_wait3A_16 = tpu.memref_squeeze %dma_wait3A_15 : memref<1x80xi32, #tpu.memory_space<vmem>> -> memref<80xi32, #tpu.memory_space<vmem>>
      %dma_wait3A_17 = arith.constant 0 : i32
      %dma_wait3A_18 = arith.constant 0 : i32
      %dma_wait3A_19 = tpu.memref_slice %arg2[%dma_wait3A_17, %dma_wait3A_18] : memref<10000x8xf32, #tpu.memory_space<hbm>> -> memref<10000x8xf32, #tpu.memory_space<hbm>>
      tpu.wait_indirect_dma semaphore(%arg11 : memref<!tpu.dma_semaphore, #tpu.memory_space<semaphore_mem>>) src(%dma_wait3A_19 : memref<10000x8xf32, #tpu.memory_space<hbm>>) dst(%arg9 : memref<80x8xf32, #tpu.memory_space<vmem>>)
      "tpu.region"() ({
        %run_scoped3A = tpu.sem_alloc : memref<!tpu.dma_semaphore, #tpu.memory_space<semaphore_mem>>
        %dma_start3A_20 = arith.constant 0 : i32
        %dma_start3A_21 = tpu.memref_slice %arg8[%scan3A_9, %dma_start3A_20] : memref<125x80xi32, #tpu.memory_space<vmem>> -> memref<1x80xi32, #tpu.memory_space<vmem>>
        %dma_start3A_22 = tpu.memref_squeeze %dma_start3A_21 : memref<1x80xi32, #tpu.memory_space<vmem>> -> memref<80xi32, #tpu.memory_space<vmem>>
        %dma_start3A_23 = arith.constant 0 : i32
        %dma_start3A_24 = arith.constant 0 : i32
        %dma_start3A_25 = tpu.memref_slice %arg10[%dma_start3A_23, %dma_start3A_24] : memref<10112x8xf32, #tpu.memory_space<vmem_shared>> -> memref<10112x8xf32, #tpu.memory_space<vmem_shared>>
        tpu.enqueue_indirect_dma source(%arg9 : memref<80x8xf32, #tpu.memory_space<vmem>>) target(%dma_start3A_25 : memref<10112x8xf32, #tpu.memory_space<vmem_shared>>) offsets(%dma_start3A_22 : memref<80xi32, #tpu.memory_space<vmem>>) semaphore(%run_scoped3A : memref<!tpu.dma_semaphore, #tpu.memory_space<semaphore_mem>>) {add = true}
        %dma_wait3A_26 = arith.constant 0 : i32
        %dma_wait3A_27 = tpu.memref_slice %arg8[%scan3A_9, %dma_wait3A_26] : memref<125x80xi32, #tpu.memory_space<vmem>> -> memref<1x80xi32, #tpu.memory_space<vmem>>
        %dma_wait3A_28 = tpu.memref_squeeze %dma_wait3A_27 : memref<1x80xi32, #tpu.memory_space<vmem>> -> memref<80xi32, #tpu.memory_space<vmem>>
        %dma_wait3A_29 = arith.constant 0 : i32
        %dma_wait3A_30 = arith.constant 0 : i32
        %dma_wait3A_31 = tpu.memref_slice %arg10[%dma_wait3A_29, %dma_wait3A_30] : memref<10112x8xf32, #tpu.memory_space<vmem_shared>> -> memref<10112x8xf32, #tpu.memory_space<vmem_shared>>
        tpu.wait_indirect_dma semaphore(%run_scoped3A : memref<!tpu.dma_semaphore, #tpu.memory_space<semaphore_mem>>) src(%arg9 : memref<80x8xf32, #tpu.memory_space<vmem>>) dst(%dma_wait3A_31 : memref<10112x8xf32, #tpu.memory_space<vmem_shared>>)
        tpu.yield
      }) : () -> ()
    }
    %scan3A_7 = arith.constant 125 : i32
    %barrier3A_8 = arith.constant 0 : index
    tpu.barrier barrier_id(%barrier3A_8)
    "tpu.region"() ({
      %run_scoped3A = tpu.sem_alloc : memref<!tpu.dma_semaphore, #tpu.memory_space<semaphore_mem>>
      %dma_start3A = arith.constant 0 : i32
      %dma_start3A_9 = tpu.memref_slice %arg6[%arg0, %mul3A_2, %dma_start3A] : memref<2x10112x8xf32, #tpu.memory_space<hbm>> -> memref<1x632x8xf32, #tpu.memory_space<hbm>>
      %dma_start3A_10 = tpu.memref_squeeze %dma_start3A_9 : memref<1x632x8xf32, #tpu.memory_space<hbm>> -> memref<632x8xf32, #tpu.memory_space<hbm>>
      %dma_start3A_11 = arith.constant 0 : i32
      %dma_start3A_12 = tpu.memref_slice %arg10[%mul3A_2, %dma_start3A_11] : memref<10112x8xf32, #tpu.memory_space<vmem_shared>> -> memref<632x8xf32, #tpu.memory_space<vmem_shared>>
      tpu.enqueue_dma source(%dma_start3A_12 : memref<632x8xf32, #tpu.memory_space<vmem_shared>>) target(%dma_start3A_10 : memref<632x8xf32, #tpu.memory_space<hbm>>) target_semaphore(%run_scoped3A : memref<!tpu.dma_semaphore, #tpu.memory_space<semaphore_mem>>)
      %dma_wait3A = arith.constant 0 : i32
      %dma_wait3A_13 = tpu.memref_slice %arg6[%arg0, %mul3A_2, %dma_wait3A] : memref<2x10112x8xf32, #tpu.memory_space<hbm>> -> memref<1x632x8xf32, #tpu.memory_space<hbm>>
      %dma_wait3A_14 = tpu.memref_squeeze %dma_wait3A_13 : memref<1x632x8xf32, #tpu.memory_space<hbm>> -> memref<632x8xf32, #tpu.memory_space<hbm>>
      %dma_wait3A_15 = arith.constant 0 : i32
      %dma_wait3A_16 = tpu.memref_slice %arg10[%mul3A_2, %dma_wait3A_15] : memref<10112x8xf32, #tpu.memory_space<vmem_shared>> -> memref<632x8xf32, #tpu.memory_space<vmem_shared>>
      tpu.wait_dma2 semaphore(%run_scoped3A : memref<!tpu.dma_semaphore, #tpu.memory_space<semaphore_mem>>) src(%dma_wait3A_16 : memref<632x8xf32, #tpu.memory_space<vmem_shared>>) dst(%dma_wait3A_14 : memref<632x8xf32, #tpu.memory_space<hbm>>)
      tpu.yield
    }) : () -> ()
    return
  }
}

#map = affine_map<(d0, d1) -> (0, 0)>
#map1 = affine_map<(d0, d1) -> (0, 0, 0)>
module attributes {stable_mosaic.version = 14 : i64} {
  func.func @sc_agg_f8(%arg0: i32, %arg1: i32, %arg2: memref<10000x8xf32, #tpu.memory_space<hbm>>, %arg3: memref<32x125x80xi32, #tpu.memory_space<hbm>>, %arg4: memref<32x125x80xi32, #tpu.memory_space<hbm>>, %arg5: memref<632x8xf32, #tpu.memory_space<hbm>>, %arg6: memref<2x10112x8xf32, #tpu.memory_space<hbm>>, %arg7: memref<125x80xi32, #tpu.memory_space<vmem>>, %arg8: memref<125x80xi32, #tpu.memory_space<vmem>>, %arg9: memref<80x8xf32, #tpu.memory_space<vmem>>, %arg10: memref<10112x8xf32, #tpu.memory_space<vmem_shared>>, %arg11: memref<!tpu.dma_semaphore, #tpu.memory_space<semaphore_mem>>) attributes {dimension_semantics = [#tpu.dimension_semantics<core_parallel>, #tpu.dimension_semantics<subcore_parallel>], iteration_bounds = array<i64: 2, 16>, scalar_prefetch = 0 : i64, scratch_operands = 5 : i64, tpu.core_type = #tpu.core_type<sc_vector_subcore>, window_params = [{transform_indices = #map}, {transform_indices = #map1}, {transform_indices = #map1}, {transform_indices = #map}, {transform_indices = #map1}]} {
    %mul3A = arith.constant 16 : i32
    %mul3A_0 = arith.muli %arg0, %mul3A : i32
    %add3A = arith.addi %mul3A_0, %arg1 : i32
    "tpu.region"() ({
      %run_scoped3A = tpu.sem_alloc : memref<!tpu.dma_semaphore, #tpu.memory_space<semaphore_mem>>
      %dma_start3A = arith.constant 0 : i32
      %dma_start3A_9 = arith.constant 0 : i32
      %dma_start3A_10 = tpu.memref_slice %arg3[%add3A, %dma_start3A, %dma_start3A_9] : memref<32x125x80xi32, #tpu.memory_space<hbm>> -> memref<1x125x80xi32, #tpu.memory_space<hbm>>
      %dma_start3A_11 = tpu.memref_squeeze %dma_start3A_10 : memref<1x125x80xi32, #tpu.memory_space<hbm>> -> memref<125x80xi32, #tpu.memory_space<hbm>>
      %dma_start3A_12 = arith.constant 0 : i32
      %dma_start3A_13 = arith.constant 0 : i32
      %dma_start3A_14 = tpu.memref_slice %arg3[%add3A, %dma_start3A_12, %dma_start3A_13] : memref<32x125x80xi32, #tpu.memory_space<hbm>> -> memref<1x125x80xi32, #tpu.memory_space<hbm>>
      %dma_start3A_15 = tpu.memref_squeeze %dma_start3A_14 : memref<1x125x80xi32, #tpu.memory_space<hbm>> -> memref<125x80xi32, #tpu.memory_space<hbm>>
      tpu.enqueue_dma source(%dma_start3A_15 : memref<125x80xi32, #tpu.memory_space<hbm>>) target(%arg7 : memref<125x80xi32, #tpu.memory_space<vmem>>) target_semaphore(%run_scoped3A : memref<!tpu.dma_semaphore, #tpu.memory_space<semaphore_mem>>)
      %dma_wait3A = arith.constant 0 : i32
      %dma_wait3A_16 = arith.constant 0 : i32
      %dma_wait3A_17 = tpu.memref_slice %arg3[%add3A, %dma_wait3A, %dma_wait3A_16] : memref<32x125x80xi32, #tpu.memory_space<hbm>> -> memref<1x125x80xi32, #tpu.memory_space<hbm>>
      %dma_wait3A_18 = tpu.memref_squeeze %dma_wait3A_17 : memref<1x125x80xi32, #tpu.memory_space<hbm>> -> memref<125x80xi32, #tpu.memory_space<hbm>>
      %dma_wait3A_19 = arith.constant 0 : i32
      %dma_wait3A_20 = arith.constant 0 : i32
      %dma_wait3A_21 = tpu.memref_slice %arg3[%add3A, %dma_wait3A_19, %dma_wait3A_20] : memref<32x125x80xi32, #tpu.memory_space<hbm>> -> memref<1x125x80xi32, #tpu.memory_space<hbm>>
      %dma_wait3A_22 = tpu.memref_squeeze %dma_wait3A_21 : memref<1x125x80xi32, #tpu.memory_space<hbm>> -> memref<125x80xi32, #tpu.memory_space<hbm>>
      tpu.wait_dma2 semaphore(%run_scoped3A : memref<!tpu.dma_semaphore, #tpu.memory_space<semaphore_mem>>) src(%dma_wait3A_22 : memref<125x80xi32, #tpu.memory_space<hbm>>) dst(%arg7 : memref<125x80xi32, #tpu.memory_space<vmem>>)
      tpu.yield
    }) : () -> ()
    "tpu.region"() ({
      %run_scoped3A = tpu.sem_alloc : memref<!tpu.dma_semaphore, #tpu.memory_space<semaphore_mem>>
      %dma_start3A = arith.constant 0 : i32
      %dma_start3A_9 = arith.constant 0 : i32
      %dma_start3A_10 = tpu.memref_slice %arg4[%add3A, %dma_start3A, %dma_start3A_9] : memref<32x125x80xi32, #tpu.memory_space<hbm>> -> memref<1x125x80xi32, #tpu.memory_space<hbm>>
      %dma_start3A_11 = tpu.memref_squeeze %dma_start3A_10 : memref<1x125x80xi32, #tpu.memory_space<hbm>> -> memref<125x80xi32, #tpu.memory_space<hbm>>
      %dma_start3A_12 = arith.constant 0 : i32
      %dma_start3A_13 = arith.constant 0 : i32
      %dma_start3A_14 = tpu.memref_slice %arg4[%add3A, %dma_start3A_12, %dma_start3A_13] : memref<32x125x80xi32, #tpu.memory_space<hbm>> -> memref<1x125x80xi32, #tpu.memory_space<hbm>>
      %dma_start3A_15 = tpu.memref_squeeze %dma_start3A_14 : memref<1x125x80xi32, #tpu.memory_space<hbm>> -> memref<125x80xi32, #tpu.memory_space<hbm>>
      tpu.enqueue_dma source(%dma_start3A_15 : memref<125x80xi32, #tpu.memory_space<hbm>>) target(%arg8 : memref<125x80xi32, #tpu.memory_space<vmem>>) target_semaphore(%run_scoped3A : memref<!tpu.dma_semaphore, #tpu.memory_space<semaphore_mem>>)
      %dma_wait3A = arith.constant 0 : i32
      %dma_wait3A_16 = arith.constant 0 : i32
      %dma_wait3A_17 = tpu.memref_slice %arg4[%add3A, %dma_wait3A, %dma_wait3A_16] : memref<32x125x80xi32, #tpu.memory_space<hbm>> -> memref<1x125x80xi32, #tpu.memory_space<hbm>>
      %dma_wait3A_18 = tpu.memref_squeeze %dma_wait3A_17 : memref<1x125x80xi32, #tpu.memory_space<hbm>> -> memref<125x80xi32, #tpu.memory_space<hbm>>
      %dma_wait3A_19 = arith.constant 0 : i32
      %dma_wait3A_20 = arith.constant 0 : i32
      %dma_wait3A_21 = tpu.memref_slice %arg4[%add3A, %dma_wait3A_19, %dma_wait3A_20] : memref<32x125x80xi32, #tpu.memory_space<hbm>> -> memref<1x125x80xi32, #tpu.memory_space<hbm>>
      %dma_wait3A_22 = tpu.memref_squeeze %dma_wait3A_21 : memref<1x125x80xi32, #tpu.memory_space<hbm>> -> memref<125x80xi32, #tpu.memory_space<hbm>>
      tpu.wait_dma2 semaphore(%run_scoped3A : memref<!tpu.dma_semaphore, #tpu.memory_space<semaphore_mem>>) src(%dma_wait3A_22 : memref<125x80xi32, #tpu.memory_space<hbm>>) dst(%arg8 : memref<125x80xi32, #tpu.memory_space<vmem>>)
      tpu.yield
    }) : () -> ()
    %mul3A_1 = arith.constant 632 : i32
    %mul3A_2 = arith.muli %arg1, %mul3A_1 : i32
    "tpu.region"() ({
      %run_scoped3A = tpu.sem_alloc : memref<!tpu.dma_semaphore, #tpu.memory_space<semaphore_mem>>
      %dma_start3A = arith.constant 0 : i32
      %dma_start3A_9 = tpu.memref_slice %arg10[%mul3A_2, %dma_start3A] : memref<10112x8xf32, #tpu.memory_space<vmem_shared>> -> memref<632x8xf32, #tpu.memory_space<vmem_shared>>
      tpu.enqueue_dma source(%arg5 : memref<632x8xf32, #tpu.memory_space<hbm>>) target(%dma_start3A_9 : memref<632x8xf32, #tpu.memory_space<vmem_shared>>) target_semaphore(%run_scoped3A : memref<!tpu.dma_semaphore, #tpu.memory_space<semaphore_mem>>)
      %dma_wait3A = arith.constant 0 : i32
      %dma_wait3A_10 = tpu.memref_slice %arg10[%mul3A_2, %dma_wait3A] : memref<10112x8xf32, #tpu.memory_space<vmem_shared>> -> memref<632x8xf32, #tpu.memory_space<vmem_shared>>
      tpu.wait_dma2 semaphore(%run_scoped3A : memref<!tpu.dma_semaphore, #tpu.memory_space<semaphore_mem>>) src(%arg5 : memref<632x8xf32, #tpu.memory_space<hbm>>) dst(%dma_wait3A_10 : memref<632x8xf32, #tpu.memory_space<vmem_shared>>)
      tpu.yield
    }) : () -> ()
    %barrier3A = arith.constant 0 : index
    tpu.barrier barrier_id(%barrier3A)
    %scan3A = arith.constant 0 : i32
    %scan3A_3 = arith.constant 0 : i32
    %scan3A_4 = arith.constant 125 : i32
    %scan3A_5 = arith.addi %scan3A_3, %scan3A_4 : i32
    %scan3A_6 = arith.constant 1 : i32
    scf.for %scan3A_9 = %scan3A_3 to %scan3A_5 step %scan3A_6  : i32 {
      %dma_start3A = arith.constant 0 : i32
      %dma_start3A_10 = tpu.memref_slice %arg7[%scan3A_9, %dma_start3A] : memref<125x80xi32, #tpu.memory_space<vmem>> -> memref<1x80xi32, #tpu.memory_space<vmem>>
      %dma_start3A_11 = tpu.memref_squeeze %dma_start3A_10 : memref<1x80xi32, #tpu.memory_space<vmem>> -> memref<80xi32, #tpu.memory_space<vmem>>
      %dma_start3A_12 = arith.constant 0 : i32
      %dma_start3A_13 = arith.constant 0 : i32
      %dma_start3A_14 = tpu.memref_slice %arg2[%dma_start3A_12, %dma_start3A_13] : memref<10000x8xf32, #tpu.memory_space<hbm>> -> memref<10000x8xf32, #tpu.memory_space<hbm>>
      tpu.enqueue_indirect_dma source(%dma_start3A_14 : memref<10000x8xf32, #tpu.memory_space<hbm>>) target(%arg9 : memref<80x8xf32, #tpu.memory_space<vmem>>) offsets(%dma_start3A_11 : memref<80xi32, #tpu.memory_space<vmem>>) semaphore(%arg11 : memref<!tpu.dma_semaphore, #tpu.memory_space<semaphore_mem>>)
      %dma_wait3A = arith.constant 0 : i32
      %dma_wait3A_15 = tpu.memref_slice %arg7[%scan3A_9, %dma_wait3A] : memref<125x80xi32, #tpu.memory_space<vmem>> -> memref<1x80xi32, #tpu.memory_space<vmem>>
      %dma_wait3A_16 = tpu.memref_squeeze %dma_wait3A_15 : memref<1x80xi32, #tpu.memory_space<vmem>> -> memref<80xi32, #tpu.memory_space<vmem>>
      %dma_wait3A_17 = arith.constant 0 : i32
      %dma_wait3A_18 = arith.constant 0 : i32
      %dma_wait3A_19 = tpu.memref_slice %arg2[%dma_wait3A_17, %dma_wait3A_18] : memref<10000x8xf32, #tpu.memory_space<hbm>> -> memref<10000x8xf32, #tpu.memory_space<hbm>>
      tpu.wait_indirect_dma semaphore(%arg11 : memref<!tpu.dma_semaphore, #tpu.memory_space<semaphore_mem>>) src(%dma_wait3A_19 : memref<10000x8xf32, #tpu.memory_space<hbm>>) dst(%arg9 : memref<80x8xf32, #tpu.memory_space<vmem>>)
      "tpu.region"() ({
        %run_scoped3A = tpu.sem_alloc : memref<!tpu.dma_semaphore, #tpu.memory_space<semaphore_mem>>
        %dma_start3A_20 = arith.constant 0 : i32
        %dma_start3A_21 = tpu.memref_slice %arg8[%scan3A_9, %dma_start3A_20] : memref<125x80xi32, #tpu.memory_space<vmem>> -> memref<1x80xi32, #tpu.memory_space<vmem>>
        %dma_start3A_22 = tpu.memref_squeeze %dma_start3A_21 : memref<1x80xi32, #tpu.memory_space<vmem>> -> memref<80xi32, #tpu.memory_space<vmem>>
        %dma_start3A_23 = arith.constant 0 : i32
        %dma_start3A_24 = arith.constant 0 : i32
        %dma_start3A_25 = tpu.memref_slice %arg10[%dma_start3A_23, %dma_start3A_24] : memref<10112x8xf32, #tpu.memory_space<vmem_shared>> -> memref<10112x8xf32, #tpu.memory_space<vmem_shared>>
        tpu.enqueue_indirect_dma source(%arg9 : memref<80x8xf32, #tpu.memory_space<vmem>>) target(%dma_start3A_25 : memref<10112x8xf32, #tpu.memory_space<vmem_shared>>) offsets(%dma_start3A_22 : memref<80xi32, #tpu.memory_space<vmem>>) semaphore(%run_scoped3A : memref<!tpu.dma_semaphore, #tpu.memory_space<semaphore_mem>>) {add = true}
        %dma_wait3A_26 = arith.constant 0 : i32
        %dma_wait3A_27 = tpu.memref_slice %arg8[%scan3A_9, %dma_wait3A_26] : memref<125x80xi32, #tpu.memory_space<vmem>> -> memref<1x80xi32, #tpu.memory_space<vmem>>
        %dma_wait3A_28 = tpu.memref_squeeze %dma_wait3A_27 : memref<1x80xi32, #tpu.memory_space<vmem>> -> memref<80xi32, #tpu.memory_space<vmem>>
        %dma_wait3A_29 = arith.constant 0 : i32
        %dma_wait3A_30 = arith.constant 0 : i32
        %dma_wait3A_31 = tpu.memref_slice %arg10[%dma_wait3A_29, %dma_wait3A_30] : memref<10112x8xf32, #tpu.memory_space<vmem_shared>> -> memref<10112x8xf32, #tpu.memory_space<vmem_shared>>
        tpu.wait_indirect_dma semaphore(%run_scoped3A : memref<!tpu.dma_semaphore, #tpu.memory_space<semaphore_mem>>) src(%arg9 : memref<80x8xf32, #tpu.memory_space<vmem>>) dst(%dma_wait3A_31 : memref<10112x8xf32, #tpu.memory_space<vmem_shared>>)
        tpu.yield
      }) : () -> ()
    }
    %scan3A_7 = arith.constant 125 : i32
    %barrier3A_8 = arith.constant 0 : index
    tpu.barrier barrier_id(%barrier3A_8)
    "tpu.region"() ({
      %run_scoped3A = tpu.sem_alloc : memref<!tpu.dma_semaphore, #tpu.memory_space<semaphore_mem>>
      %dma_start3A = arith.constant 0 : i32
      %dma_start3A_9 = tpu.memref_slice %arg6[%arg0, %mul3A_2, %dma_start3A] : memref<2x10112x8xf32, #tpu.memory_space<hbm>> -> memref<1x632x8xf32, #tpu.memory_space<hbm>>
      %dma_start3A_10 = tpu.memref_squeeze %dma_start3A_9 : memref<1x632x8xf32, #tpu.memory_space<hbm>> -> memref<632x8xf32, #tpu.memory_space<hbm>>
      %dma_start3A_11 = arith.constant 0 : i32
      %dma_start3A_12 = tpu.memref_slice %arg10[%mul3A_2, %dma_start3A_11] : memref<10112x8xf32, #tpu.memory_space<vmem_shared>> -> memref<632x8xf32, #tpu.memory_space<vmem_shared>>
      tpu.enqueue_dma source(%dma_start3A_12 : memref<632x8xf32, #tpu.memory_space<vmem_shared>>) target(%dma_start3A_10 : memref<632x8xf32, #tpu.memory_space<hbm>>) target_semaphore(%run_scoped3A : memref<!tpu.dma_semaphore, #tpu.memory_space<semaphore_mem>>)
      %dma_wait3A = arith.constant 0 : i32
      %dma_wait3A_13 = tpu.memref_slice %arg6[%arg0, %mul3A_2, %dma_wait3A] : memref<2x10112x8xf32, #tpu.memory_space<hbm>> -> memref<1x632x8xf32, #tpu.memory_space<hbm>>
      %dma_wait3A_14 = tpu.memref_squeeze %dma_wait3A_13 : memref<1x632x8xf32, #tpu.memory_space<hbm>> -> memref<632x8xf32, #tpu.memory_space<hbm>>
      %dma_wait3A_15 = arith.constant 0 : i32
      %dma_wait3A_16 = tpu.memref_slice %arg10[%mul3A_2, %dma_wait3A_15] : memref<10112x8xf32, #tpu.memory_space<vmem_shared>> -> memref<632x8xf32, #tpu.memory_space<vmem_shared>>
      tpu.wait_dma2 semaphore(%run_scoped3A : memref<!tpu.dma_semaphore, #tpu.memory_space<semaphore_mem>>) src(%dma_wait3A_16 : memref<632x8xf32, #tpu.memory_space<vmem_shared>>) dst(%dma_wait3A_14 : memref<632x8xf32, #tpu.memory_space<hbm>>)
      tpu.yield
    }) : () -> ()
    return
  }
}

#map = affine_map<(d0, d1) -> (0, 0)>
#map1 = affine_map<(d0, d1) -> (0, 0, 0)>
module attributes {stable_mosaic.version = 14 : i64} {
  func.func @sc_agg_f64(%arg0: i32, %arg1: i32, %arg2: memref<10000x64xf32, #tpu.memory_space<hbm>>, %arg3: memref<32x125x80xi32, #tpu.memory_space<hbm>>, %arg4: memref<32x125x80xi32, #tpu.memory_space<hbm>>, %arg5: memref<632x64xf32, #tpu.memory_space<hbm>>, %arg6: memref<2x10112x64xf32, #tpu.memory_space<hbm>>, %arg7: memref<125x80xi32, #tpu.memory_space<vmem>>, %arg8: memref<125x80xi32, #tpu.memory_space<vmem>>, %arg9: memref<80x64xf32, #tpu.memory_space<vmem>>, %arg10: memref<10112x64xf32, #tpu.memory_space<vmem_shared>>, %arg11: memref<!tpu.dma_semaphore, #tpu.memory_space<semaphore_mem>>) attributes {dimension_semantics = [#tpu.dimension_semantics<core_parallel>, #tpu.dimension_semantics<subcore_parallel>], iteration_bounds = array<i64: 2, 16>, scalar_prefetch = 0 : i64, scratch_operands = 5 : i64, tpu.core_type = #tpu.core_type<sc_vector_subcore>, window_params = [{transform_indices = #map}, {transform_indices = #map1}, {transform_indices = #map1}, {transform_indices = #map}, {transform_indices = #map1}]} {
    %mul3A = arith.constant 16 : i32
    %mul3A_0 = arith.muli %arg0, %mul3A : i32
    %add3A = arith.addi %mul3A_0, %arg1 : i32
    "tpu.region"() ({
      %run_scoped3A = tpu.sem_alloc : memref<!tpu.dma_semaphore, #tpu.memory_space<semaphore_mem>>
      %dma_start3A = arith.constant 0 : i32
      %dma_start3A_9 = arith.constant 0 : i32
      %dma_start3A_10 = tpu.memref_slice %arg3[%add3A, %dma_start3A, %dma_start3A_9] : memref<32x125x80xi32, #tpu.memory_space<hbm>> -> memref<1x125x80xi32, #tpu.memory_space<hbm>>
      %dma_start3A_11 = tpu.memref_squeeze %dma_start3A_10 : memref<1x125x80xi32, #tpu.memory_space<hbm>> -> memref<125x80xi32, #tpu.memory_space<hbm>>
      %dma_start3A_12 = arith.constant 0 : i32
      %dma_start3A_13 = arith.constant 0 : i32
      %dma_start3A_14 = tpu.memref_slice %arg3[%add3A, %dma_start3A_12, %dma_start3A_13] : memref<32x125x80xi32, #tpu.memory_space<hbm>> -> memref<1x125x80xi32, #tpu.memory_space<hbm>>
      %dma_start3A_15 = tpu.memref_squeeze %dma_start3A_14 : memref<1x125x80xi32, #tpu.memory_space<hbm>> -> memref<125x80xi32, #tpu.memory_space<hbm>>
      tpu.enqueue_dma source(%dma_start3A_15 : memref<125x80xi32, #tpu.memory_space<hbm>>) target(%arg7 : memref<125x80xi32, #tpu.memory_space<vmem>>) target_semaphore(%run_scoped3A : memref<!tpu.dma_semaphore, #tpu.memory_space<semaphore_mem>>)
      %dma_wait3A = arith.constant 0 : i32
      %dma_wait3A_16 = arith.constant 0 : i32
      %dma_wait3A_17 = tpu.memref_slice %arg3[%add3A, %dma_wait3A, %dma_wait3A_16] : memref<32x125x80xi32, #tpu.memory_space<hbm>> -> memref<1x125x80xi32, #tpu.memory_space<hbm>>
      %dma_wait3A_18 = tpu.memref_squeeze %dma_wait3A_17 : memref<1x125x80xi32, #tpu.memory_space<hbm>> -> memref<125x80xi32, #tpu.memory_space<hbm>>
      %dma_wait3A_19 = arith.constant 0 : i32
      %dma_wait3A_20 = arith.constant 0 : i32
      %dma_wait3A_21 = tpu.memref_slice %arg3[%add3A, %dma_wait3A_19, %dma_wait3A_20] : memref<32x125x80xi32, #tpu.memory_space<hbm>> -> memref<1x125x80xi32, #tpu.memory_space<hbm>>
      %dma_wait3A_22 = tpu.memref_squeeze %dma_wait3A_21 : memref<1x125x80xi32, #tpu.memory_space<hbm>> -> memref<125x80xi32, #tpu.memory_space<hbm>>
      tpu.wait_dma2 semaphore(%run_scoped3A : memref<!tpu.dma_semaphore, #tpu.memory_space<semaphore_mem>>) src(%dma_wait3A_22 : memref<125x80xi32, #tpu.memory_space<hbm>>) dst(%arg7 : memref<125x80xi32, #tpu.memory_space<vmem>>)
      tpu.yield
    }) : () -> ()
    "tpu.region"() ({
      %run_scoped3A = tpu.sem_alloc : memref<!tpu.dma_semaphore, #tpu.memory_space<semaphore_mem>>
      %dma_start3A = arith.constant 0 : i32
      %dma_start3A_9 = arith.constant 0 : i32
      %dma_start3A_10 = tpu.memref_slice %arg4[%add3A, %dma_start3A, %dma_start3A_9] : memref<32x125x80xi32, #tpu.memory_space<hbm>> -> memref<1x125x80xi32, #tpu.memory_space<hbm>>
      %dma_start3A_11 = tpu.memref_squeeze %dma_start3A_10 : memref<1x125x80xi32, #tpu.memory_space<hbm>> -> memref<125x80xi32, #tpu.memory_space<hbm>>
      %dma_start3A_12 = arith.constant 0 : i32
      %dma_start3A_13 = arith.constant 0 : i32
      %dma_start3A_14 = tpu.memref_slice %arg4[%add3A, %dma_start3A_12, %dma_start3A_13] : memref<32x125x80xi32, #tpu.memory_space<hbm>> -> memref<1x125x80xi32, #tpu.memory_space<hbm>>
      %dma_start3A_15 = tpu.memref_squeeze %dma_start3A_14 : memref<1x125x80xi32, #tpu.memory_space<hbm>> -> memref<125x80xi32, #tpu.memory_space<hbm>>
      tpu.enqueue_dma source(%dma_start3A_15 : memref<125x80xi32, #tpu.memory_space<hbm>>) target(%arg8 : memref<125x80xi32, #tpu.memory_space<vmem>>) target_semaphore(%run_scoped3A : memref<!tpu.dma_semaphore, #tpu.memory_space<semaphore_mem>>)
      %dma_wait3A = arith.constant 0 : i32
      %dma_wait3A_16 = arith.constant 0 : i32
      %dma_wait3A_17 = tpu.memref_slice %arg4[%add3A, %dma_wait3A, %dma_wait3A_16] : memref<32x125x80xi32, #tpu.memory_space<hbm>> -> memref<1x125x80xi32, #tpu.memory_space<hbm>>
      %dma_wait3A_18 = tpu.memref_squeeze %dma_wait3A_17 : memref<1x125x80xi32, #tpu.memory_space<hbm>> -> memref<125x80xi32, #tpu.memory_space<hbm>>
      %dma_wait3A_19 = arith.constant 0 : i32
      %dma_wait3A_20 = arith.constant 0 : i32
      %dma_wait3A_21 = tpu.memref_slice %arg4[%add3A, %dma_wait3A_19, %dma_wait3A_20] : memref<32x125x80xi32, #tpu.memory_space<hbm>> -> memref<1x125x80xi32, #tpu.memory_space<hbm>>
      %dma_wait3A_22 = tpu.memref_squeeze %dma_wait3A_21 : memref<1x125x80xi32, #tpu.memory_space<hbm>> -> memref<125x80xi32, #tpu.memory_space<hbm>>
      tpu.wait_dma2 semaphore(%run_scoped3A : memref<!tpu.dma_semaphore, #tpu.memory_space<semaphore_mem>>) src(%dma_wait3A_22 : memref<125x80xi32, #tpu.memory_space<hbm>>) dst(%arg8 : memref<125x80xi32, #tpu.memory_space<vmem>>)
      tpu.yield
    }) : () -> ()
    %mul3A_1 = arith.constant 632 : i32
    %mul3A_2 = arith.muli %arg1, %mul3A_1 : i32
    "tpu.region"() ({
      %run_scoped3A = tpu.sem_alloc : memref<!tpu.dma_semaphore, #tpu.memory_space<semaphore_mem>>
      %dma_start3A = arith.constant 0 : i32
      %dma_start3A_9 = tpu.memref_slice %arg10[%mul3A_2, %dma_start3A] : memref<10112x64xf32, #tpu.memory_space<vmem_shared>> -> memref<632x64xf32, #tpu.memory_space<vmem_shared>>
      tpu.enqueue_dma source(%arg5 : memref<632x64xf32, #tpu.memory_space<hbm>>) target(%dma_start3A_9 : memref<632x64xf32, #tpu.memory_space<vmem_shared>>) target_semaphore(%run_scoped3A : memref<!tpu.dma_semaphore, #tpu.memory_space<semaphore_mem>>)
      %dma_wait3A = arith.constant 0 : i32
      %dma_wait3A_10 = tpu.memref_slice %arg10[%mul3A_2, %dma_wait3A] : memref<10112x64xf32, #tpu.memory_space<vmem_shared>> -> memref<632x64xf32, #tpu.memory_space<vmem_shared>>
      tpu.wait_dma2 semaphore(%run_scoped3A : memref<!tpu.dma_semaphore, #tpu.memory_space<semaphore_mem>>) src(%arg5 : memref<632x64xf32, #tpu.memory_space<hbm>>) dst(%dma_wait3A_10 : memref<632x64xf32, #tpu.memory_space<vmem_shared>>)
      tpu.yield
    }) : () -> ()
    %barrier3A = arith.constant 0 : index
    tpu.barrier barrier_id(%barrier3A)
    %scan3A = arith.constant 0 : i32
    %scan3A_3 = arith.constant 0 : i32
    %scan3A_4 = arith.constant 125 : i32
    %scan3A_5 = arith.addi %scan3A_3, %scan3A_4 : i32
    %scan3A_6 = arith.constant 1 : i32
    scf.for %scan3A_9 = %scan3A_3 to %scan3A_5 step %scan3A_6  : i32 {
      %dma_start3A = arith.constant 0 : i32
      %dma_start3A_10 = tpu.memref_slice %arg7[%scan3A_9, %dma_start3A] : memref<125x80xi32, #tpu.memory_space<vmem>> -> memref<1x80xi32, #tpu.memory_space<vmem>>
      %dma_start3A_11 = tpu.memref_squeeze %dma_start3A_10 : memref<1x80xi32, #tpu.memory_space<vmem>> -> memref<80xi32, #tpu.memory_space<vmem>>
      %dma_start3A_12 = arith.constant 0 : i32
      %dma_start3A_13 = arith.constant 0 : i32
      %dma_start3A_14 = tpu.memref_slice %arg2[%dma_start3A_12, %dma_start3A_13] : memref<10000x64xf32, #tpu.memory_space<hbm>> -> memref<10000x64xf32, #tpu.memory_space<hbm>>
      tpu.enqueue_indirect_dma source(%dma_start3A_14 : memref<10000x64xf32, #tpu.memory_space<hbm>>) target(%arg9 : memref<80x64xf32, #tpu.memory_space<vmem>>) offsets(%dma_start3A_11 : memref<80xi32, #tpu.memory_space<vmem>>) semaphore(%arg11 : memref<!tpu.dma_semaphore, #tpu.memory_space<semaphore_mem>>)
      %dma_wait3A = arith.constant 0 : i32
      %dma_wait3A_15 = tpu.memref_slice %arg7[%scan3A_9, %dma_wait3A] : memref<125x80xi32, #tpu.memory_space<vmem>> -> memref<1x80xi32, #tpu.memory_space<vmem>>
      %dma_wait3A_16 = tpu.memref_squeeze %dma_wait3A_15 : memref<1x80xi32, #tpu.memory_space<vmem>> -> memref<80xi32, #tpu.memory_space<vmem>>
      %dma_wait3A_17 = arith.constant 0 : i32
      %dma_wait3A_18 = arith.constant 0 : i32
      %dma_wait3A_19 = tpu.memref_slice %arg2[%dma_wait3A_17, %dma_wait3A_18] : memref<10000x64xf32, #tpu.memory_space<hbm>> -> memref<10000x64xf32, #tpu.memory_space<hbm>>
      tpu.wait_indirect_dma semaphore(%arg11 : memref<!tpu.dma_semaphore, #tpu.memory_space<semaphore_mem>>) src(%dma_wait3A_19 : memref<10000x64xf32, #tpu.memory_space<hbm>>) dst(%arg9 : memref<80x64xf32, #tpu.memory_space<vmem>>)
      "tpu.region"() ({
        %run_scoped3A = tpu.sem_alloc : memref<!tpu.dma_semaphore, #tpu.memory_space<semaphore_mem>>
        %dma_start3A_20 = arith.constant 0 : i32
        %dma_start3A_21 = tpu.memref_slice %arg8[%scan3A_9, %dma_start3A_20] : memref<125x80xi32, #tpu.memory_space<vmem>> -> memref<1x80xi32, #tpu.memory_space<vmem>>
        %dma_start3A_22 = tpu.memref_squeeze %dma_start3A_21 : memref<1x80xi32, #tpu.memory_space<vmem>> -> memref<80xi32, #tpu.memory_space<vmem>>
        %dma_start3A_23 = arith.constant 0 : i32
        %dma_start3A_24 = arith.constant 0 : i32
        %dma_start3A_25 = tpu.memref_slice %arg10[%dma_start3A_23, %dma_start3A_24] : memref<10112x64xf32, #tpu.memory_space<vmem_shared>> -> memref<10112x64xf32, #tpu.memory_space<vmem_shared>>
        tpu.enqueue_indirect_dma source(%arg9 : memref<80x64xf32, #tpu.memory_space<vmem>>) target(%dma_start3A_25 : memref<10112x64xf32, #tpu.memory_space<vmem_shared>>) offsets(%dma_start3A_22 : memref<80xi32, #tpu.memory_space<vmem>>) semaphore(%run_scoped3A : memref<!tpu.dma_semaphore, #tpu.memory_space<semaphore_mem>>) {add = true}
        %dma_wait3A_26 = arith.constant 0 : i32
        %dma_wait3A_27 = tpu.memref_slice %arg8[%scan3A_9, %dma_wait3A_26] : memref<125x80xi32, #tpu.memory_space<vmem>> -> memref<1x80xi32, #tpu.memory_space<vmem>>
        %dma_wait3A_28 = tpu.memref_squeeze %dma_wait3A_27 : memref<1x80xi32, #tpu.memory_space<vmem>> -> memref<80xi32, #tpu.memory_space<vmem>>
        %dma_wait3A_29 = arith.constant 0 : i32
        %dma_wait3A_30 = arith.constant 0 : i32
        %dma_wait3A_31 = tpu.memref_slice %arg10[%dma_wait3A_29, %dma_wait3A_30] : memref<10112x64xf32, #tpu.memory_space<vmem_shared>> -> memref<10112x64xf32, #tpu.memory_space<vmem_shared>>
        tpu.wait_indirect_dma semaphore(%run_scoped3A : memref<!tpu.dma_semaphore, #tpu.memory_space<semaphore_mem>>) src(%arg9 : memref<80x64xf32, #tpu.memory_space<vmem>>) dst(%dma_wait3A_31 : memref<10112x64xf32, #tpu.memory_space<vmem_shared>>)
        tpu.yield
      }) : () -> ()
    }
    %scan3A_7 = arith.constant 125 : i32
    %barrier3A_8 = arith.constant 0 : index
    tpu.barrier barrier_id(%barrier3A_8)
    "tpu.region"() ({
      %run_scoped3A = tpu.sem_alloc : memref<!tpu.dma_semaphore, #tpu.memory_space<semaphore_mem>>
      %dma_start3A = arith.constant 0 : i32
      %dma_start3A_9 = tpu.memref_slice %arg6[%arg0, %mul3A_2, %dma_start3A] : memref<2x10112x64xf32, #tpu.memory_space<hbm>> -> memref<1x632x64xf32, #tpu.memory_space<hbm>>
      %dma_start3A_10 = tpu.memref_squeeze %dma_start3A_9 : memref<1x632x64xf32, #tpu.memory_space<hbm>> -> memref<632x64xf32, #tpu.memory_space<hbm>>
      %dma_start3A_11 = arith.constant 0 : i32
      %dma_start3A_12 = tpu.memref_slice %arg10[%mul3A_2, %dma_start3A_11] : memref<10112x64xf32, #tpu.memory_space<vmem_shared>> -> memref<632x64xf32, #tpu.memory_space<vmem_shared>>
      tpu.enqueue_dma source(%dma_start3A_12 : memref<632x64xf32, #tpu.memory_space<vmem_shared>>) target(%dma_start3A_10 : memref<632x64xf32, #tpu.memory_space<hbm>>) target_semaphore(%run_scoped3A : memref<!tpu.dma_semaphore, #tpu.memory_space<semaphore_mem>>)
      %dma_wait3A = arith.constant 0 : i32
      %dma_wait3A_13 = tpu.memref_slice %arg6[%arg0, %mul3A_2, %dma_wait3A] : memref<2x10112x64xf32, #tpu.memory_space<hbm>> -> memref<1x632x64xf32, #tpu.memory_space<hbm>>
      %dma_wait3A_14 = tpu.memref_squeeze %dma_wait3A_13 : memref<1x632x64xf32, #tpu.memory_space<hbm>> -> memref<632x64xf32, #tpu.memory_space<hbm>>
      %dma_wait3A_15 = arith.constant 0 : i32
      %dma_wait3A_16 = tpu.memref_slice %arg10[%mul3A_2, %dma_wait3A_15] : memref<10112x64xf32, #tpu.memory_space<vmem_shared>> -> memref<632x64xf32, #tpu.memory_space<vmem_shared>>
      tpu.wait_dma2 semaphore(%run_scoped3A : memref<!tpu.dma_semaphore, #tpu.memory_space<semaphore_mem>>) src(%dma_wait3A_16 : memref<632x64xf32, #tpu.memory_space<vmem_shared>>) dst(%dma_wait3A_14 : memref<632x64xf32, #tpu.memory_space<hbm>>)
      tpu.yield
    }) : () -> ()
    return
  }
}

#map = affine_map<(d0, d1) -> (0, 0)>
#map1 = affine_map<(d0, d1) -> (0, 0, 0)>
module attributes {stable_mosaic.version = 14 : i64} {
  func.func @sc_agg_f128(%arg0: i32, %arg1: i32, %arg2: memref<10000x128xf32, #tpu.memory_space<hbm>>, %arg3: memref<32x125x80xi32, #tpu.memory_space<hbm>>, %arg4: memref<32x125x80xi32, #tpu.memory_space<hbm>>, %arg5: memref<632x128xf32, #tpu.memory_space<hbm>>, %arg6: memref<2x10112x128xf32, #tpu.memory_space<hbm>>, %arg7: memref<125x80xi32, #tpu.memory_space<vmem>>, %arg8: memref<125x80xi32, #tpu.memory_space<vmem>>, %arg9: memref<80x128xf32, #tpu.memory_space<vmem>>, %arg10: memref<10112x128xf32, #tpu.memory_space<vmem_shared>>, %arg11: memref<!tpu.dma_semaphore, #tpu.memory_space<semaphore_mem>>) attributes {dimension_semantics = [#tpu.dimension_semantics<core_parallel>, #tpu.dimension_semantics<subcore_parallel>], iteration_bounds = array<i64: 2, 16>, scalar_prefetch = 0 : i64, scratch_operands = 5 : i64, tpu.core_type = #tpu.core_type<sc_vector_subcore>, window_params = [{transform_indices = #map}, {transform_indices = #map1}, {transform_indices = #map1}, {transform_indices = #map}, {transform_indices = #map1}]} {
    %mul3A = arith.constant 16 : i32
    %mul3A_0 = arith.muli %arg0, %mul3A : i32
    %add3A = arith.addi %mul3A_0, %arg1 : i32
    "tpu.region"() ({
      %run_scoped3A = tpu.sem_alloc : memref<!tpu.dma_semaphore, #tpu.memory_space<semaphore_mem>>
      %dma_start3A = arith.constant 0 : i32
      %dma_start3A_9 = arith.constant 0 : i32
      %dma_start3A_10 = tpu.memref_slice %arg3[%add3A, %dma_start3A, %dma_start3A_9] : memref<32x125x80xi32, #tpu.memory_space<hbm>> -> memref<1x125x80xi32, #tpu.memory_space<hbm>>
      %dma_start3A_11 = tpu.memref_squeeze %dma_start3A_10 : memref<1x125x80xi32, #tpu.memory_space<hbm>> -> memref<125x80xi32, #tpu.memory_space<hbm>>
      %dma_start3A_12 = arith.constant 0 : i32
      %dma_start3A_13 = arith.constant 0 : i32
      %dma_start3A_14 = tpu.memref_slice %arg3[%add3A, %dma_start3A_12, %dma_start3A_13] : memref<32x125x80xi32, #tpu.memory_space<hbm>> -> memref<1x125x80xi32, #tpu.memory_space<hbm>>
      %dma_start3A_15 = tpu.memref_squeeze %dma_start3A_14 : memref<1x125x80xi32, #tpu.memory_space<hbm>> -> memref<125x80xi32, #tpu.memory_space<hbm>>
      tpu.enqueue_dma source(%dma_start3A_15 : memref<125x80xi32, #tpu.memory_space<hbm>>) target(%arg7 : memref<125x80xi32, #tpu.memory_space<vmem>>) target_semaphore(%run_scoped3A : memref<!tpu.dma_semaphore, #tpu.memory_space<semaphore_mem>>)
      %dma_wait3A = arith.constant 0 : i32
      %dma_wait3A_16 = arith.constant 0 : i32
      %dma_wait3A_17 = tpu.memref_slice %arg3[%add3A, %dma_wait3A, %dma_wait3A_16] : memref<32x125x80xi32, #tpu.memory_space<hbm>> -> memref<1x125x80xi32, #tpu.memory_space<hbm>>
      %dma_wait3A_18 = tpu.memref_squeeze %dma_wait3A_17 : memref<1x125x80xi32, #tpu.memory_space<hbm>> -> memref<125x80xi32, #tpu.memory_space<hbm>>
      %dma_wait3A_19 = arith.constant 0 : i32
      %dma_wait3A_20 = arith.constant 0 : i32
      %dma_wait3A_21 = tpu.memref_slice %arg3[%add3A, %dma_wait3A_19, %dma_wait3A_20] : memref<32x125x80xi32, #tpu.memory_space<hbm>> -> memref<1x125x80xi32, #tpu.memory_space<hbm>>
      %dma_wait3A_22 = tpu.memref_squeeze %dma_wait3A_21 : memref<1x125x80xi32, #tpu.memory_space<hbm>> -> memref<125x80xi32, #tpu.memory_space<hbm>>
      tpu.wait_dma2 semaphore(%run_scoped3A : memref<!tpu.dma_semaphore, #tpu.memory_space<semaphore_mem>>) src(%dma_wait3A_22 : memref<125x80xi32, #tpu.memory_space<hbm>>) dst(%arg7 : memref<125x80xi32, #tpu.memory_space<vmem>>)
      tpu.yield
    }) : () -> ()
    "tpu.region"() ({
      %run_scoped3A = tpu.sem_alloc : memref<!tpu.dma_semaphore, #tpu.memory_space<semaphore_mem>>
      %dma_start3A = arith.constant 0 : i32
      %dma_start3A_9 = arith.constant 0 : i32
      %dma_start3A_10 = tpu.memref_slice %arg4[%add3A, %dma_start3A, %dma_start3A_9] : memref<32x125x80xi32, #tpu.memory_space<hbm>> -> memref<1x125x80xi32, #tpu.memory_space<hbm>>
      %dma_start3A_11 = tpu.memref_squeeze %dma_start3A_10 : memref<1x125x80xi32, #tpu.memory_space<hbm>> -> memref<125x80xi32, #tpu.memory_space<hbm>>
      %dma_start3A_12 = arith.constant 0 : i32
      %dma_start3A_13 = arith.constant 0 : i32
      %dma_start3A_14 = tpu.memref_slice %arg4[%add3A, %dma_start3A_12, %dma_start3A_13] : memref<32x125x80xi32, #tpu.memory_space<hbm>> -> memref<1x125x80xi32, #tpu.memory_space<hbm>>
      %dma_start3A_15 = tpu.memref_squeeze %dma_start3A_14 : memref<1x125x80xi32, #tpu.memory_space<hbm>> -> memref<125x80xi32, #tpu.memory_space<hbm>>
      tpu.enqueue_dma source(%dma_start3A_15 : memref<125x80xi32, #tpu.memory_space<hbm>>) target(%arg8 : memref<125x80xi32, #tpu.memory_space<vmem>>) target_semaphore(%run_scoped3A : memref<!tpu.dma_semaphore, #tpu.memory_space<semaphore_mem>>)
      %dma_wait3A = arith.constant 0 : i32
      %dma_wait3A_16 = arith.constant 0 : i32
      %dma_wait3A_17 = tpu.memref_slice %arg4[%add3A, %dma_wait3A, %dma_wait3A_16] : memref<32x125x80xi32, #tpu.memory_space<hbm>> -> memref<1x125x80xi32, #tpu.memory_space<hbm>>
      %dma_wait3A_18 = tpu.memref_squeeze %dma_wait3A_17 : memref<1x125x80xi32, #tpu.memory_space<hbm>> -> memref<125x80xi32, #tpu.memory_space<hbm>>
      %dma_wait3A_19 = arith.constant 0 : i32
      %dma_wait3A_20 = arith.constant 0 : i32
      %dma_wait3A_21 = tpu.memref_slice %arg4[%add3A, %dma_wait3A_19, %dma_wait3A_20] : memref<32x125x80xi32, #tpu.memory_space<hbm>> -> memref<1x125x80xi32, #tpu.memory_space<hbm>>
      %dma_wait3A_22 = tpu.memref_squeeze %dma_wait3A_21 : memref<1x125x80xi32, #tpu.memory_space<hbm>> -> memref<125x80xi32, #tpu.memory_space<hbm>>
      tpu.wait_dma2 semaphore(%run_scoped3A : memref<!tpu.dma_semaphore, #tpu.memory_space<semaphore_mem>>) src(%dma_wait3A_22 : memref<125x80xi32, #tpu.memory_space<hbm>>) dst(%arg8 : memref<125x80xi32, #tpu.memory_space<vmem>>)
      tpu.yield
    }) : () -> ()
    %mul3A_1 = arith.constant 632 : i32
    %mul3A_2 = arith.muli %arg1, %mul3A_1 : i32
    "tpu.region"() ({
      %run_scoped3A = tpu.sem_alloc : memref<!tpu.dma_semaphore, #tpu.memory_space<semaphore_mem>>
      %dma_start3A = arith.constant 0 : i32
      %dma_start3A_9 = tpu.memref_slice %arg10[%mul3A_2, %dma_start3A] : memref<10112x128xf32, #tpu.memory_space<vmem_shared>> -> memref<632x128xf32, #tpu.memory_space<vmem_shared>>
      tpu.enqueue_dma source(%arg5 : memref<632x128xf32, #tpu.memory_space<hbm>>) target(%dma_start3A_9 : memref<632x128xf32, #tpu.memory_space<vmem_shared>>) target_semaphore(%run_scoped3A : memref<!tpu.dma_semaphore, #tpu.memory_space<semaphore_mem>>)
      %dma_wait3A = arith.constant 0 : i32
      %dma_wait3A_10 = tpu.memref_slice %arg10[%mul3A_2, %dma_wait3A] : memref<10112x128xf32, #tpu.memory_space<vmem_shared>> -> memref<632x128xf32, #tpu.memory_space<vmem_shared>>
      tpu.wait_dma2 semaphore(%run_scoped3A : memref<!tpu.dma_semaphore, #tpu.memory_space<semaphore_mem>>) src(%arg5 : memref<632x128xf32, #tpu.memory_space<hbm>>) dst(%dma_wait3A_10 : memref<632x128xf32, #tpu.memory_space<vmem_shared>>)
      tpu.yield
    }) : () -> ()
    %barrier3A = arith.constant 0 : index
    tpu.barrier barrier_id(%barrier3A)
    %scan3A = arith.constant 0 : i32
    %scan3A_3 = arith.constant 0 : i32
    %scan3A_4 = arith.constant 125 : i32
    %scan3A_5 = arith.addi %scan3A_3, %scan3A_4 : i32
    %scan3A_6 = arith.constant 1 : i32
    scf.for %scan3A_9 = %scan3A_3 to %scan3A_5 step %scan3A_6  : i32 {
      %dma_start3A = arith.constant 0 : i32
      %dma_start3A_10 = tpu.memref_slice %arg7[%scan3A_9, %dma_start3A] : memref<125x80xi32, #tpu.memory_space<vmem>> -> memref<1x80xi32, #tpu.memory_space<vmem>>
      %dma_start3A_11 = tpu.memref_squeeze %dma_start3A_10 : memref<1x80xi32, #tpu.memory_space<vmem>> -> memref<80xi32, #tpu.memory_space<vmem>>
      %dma_start3A_12 = arith.constant 0 : i32
      %dma_start3A_13 = arith.constant 0 : i32
      %dma_start3A_14 = tpu.memref_slice %arg2[%dma_start3A_12, %dma_start3A_13] : memref<10000x128xf32, #tpu.memory_space<hbm>> -> memref<10000x128xf32, #tpu.memory_space<hbm>>
      tpu.enqueue_indirect_dma source(%dma_start3A_14 : memref<10000x128xf32, #tpu.memory_space<hbm>>) target(%arg9 : memref<80x128xf32, #tpu.memory_space<vmem>>) offsets(%dma_start3A_11 : memref<80xi32, #tpu.memory_space<vmem>>) semaphore(%arg11 : memref<!tpu.dma_semaphore, #tpu.memory_space<semaphore_mem>>)
      %dma_wait3A = arith.constant 0 : i32
      %dma_wait3A_15 = tpu.memref_slice %arg7[%scan3A_9, %dma_wait3A] : memref<125x80xi32, #tpu.memory_space<vmem>> -> memref<1x80xi32, #tpu.memory_space<vmem>>
      %dma_wait3A_16 = tpu.memref_squeeze %dma_wait3A_15 : memref<1x80xi32, #tpu.memory_space<vmem>> -> memref<80xi32, #tpu.memory_space<vmem>>
      %dma_wait3A_17 = arith.constant 0 : i32
      %dma_wait3A_18 = arith.constant 0 : i32
      %dma_wait3A_19 = tpu.memref_slice %arg2[%dma_wait3A_17, %dma_wait3A_18] : memref<10000x128xf32, #tpu.memory_space<hbm>> -> memref<10000x128xf32, #tpu.memory_space<hbm>>
      tpu.wait_indirect_dma semaphore(%arg11 : memref<!tpu.dma_semaphore, #tpu.memory_space<semaphore_mem>>) src(%dma_wait3A_19 : memref<10000x128xf32, #tpu.memory_space<hbm>>) dst(%arg9 : memref<80x128xf32, #tpu.memory_space<vmem>>)
      "tpu.region"() ({
        %run_scoped3A = tpu.sem_alloc : memref<!tpu.dma_semaphore, #tpu.memory_space<semaphore_mem>>
        %dma_start3A_20 = arith.constant 0 : i32
        %dma_start3A_21 = tpu.memref_slice %arg8[%scan3A_9, %dma_start3A_20] : memref<125x80xi32, #tpu.memory_space<vmem>> -> memref<1x80xi32, #tpu.memory_space<vmem>>
        %dma_start3A_22 = tpu.memref_squeeze %dma_start3A_21 : memref<1x80xi32, #tpu.memory_space<vmem>> -> memref<80xi32, #tpu.memory_space<vmem>>
        %dma_start3A_23 = arith.constant 0 : i32
        %dma_start3A_24 = arith.constant 0 : i32
        %dma_start3A_25 = tpu.memref_slice %arg10[%dma_start3A_23, %dma_start3A_24] : memref<10112x128xf32, #tpu.memory_space<vmem_shared>> -> memref<10112x128xf32, #tpu.memory_space<vmem_shared>>
        tpu.enqueue_indirect_dma source(%arg9 : memref<80x128xf32, #tpu.memory_space<vmem>>) target(%dma_start3A_25 : memref<10112x128xf32, #tpu.memory_space<vmem_shared>>) offsets(%dma_start3A_22 : memref<80xi32, #tpu.memory_space<vmem>>) semaphore(%run_scoped3A : memref<!tpu.dma_semaphore, #tpu.memory_space<semaphore_mem>>) {add = true}
        %dma_wait3A_26 = arith.constant 0 : i32
        %dma_wait3A_27 = tpu.memref_slice %arg8[%scan3A_9, %dma_wait3A_26] : memref<125x80xi32, #tpu.memory_space<vmem>> -> memref<1x80xi32, #tpu.memory_space<vmem>>
        %dma_wait3A_28 = tpu.memref_squeeze %dma_wait3A_27 : memref<1x80xi32, #tpu.memory_space<vmem>> -> memref<80xi32, #tpu.memory_space<vmem>>
        %dma_wait3A_29 = arith.constant 0 : i32
        %dma_wait3A_30 = arith.constant 0 : i32
        %dma_wait3A_31 = tpu.memref_slice %arg10[%dma_wait3A_29, %dma_wait3A_30] : memref<10112x128xf32, #tpu.memory_space<vmem_shared>> -> memref<10112x128xf32, #tpu.memory_space<vmem_shared>>
        tpu.wait_indirect_dma semaphore(%run_scoped3A : memref<!tpu.dma_semaphore, #tpu.memory_space<semaphore_mem>>) src(%arg9 : memref<80x128xf32, #tpu.memory_space<vmem>>) dst(%dma_wait3A_31 : memref<10112x128xf32, #tpu.memory_space<vmem_shared>>)
        tpu.yield
      }) : () -> ()
    }
    %scan3A_7 = arith.constant 125 : i32
    %barrier3A_8 = arith.constant 0 : index
    tpu.barrier barrier_id(%barrier3A_8)
    "tpu.region"() ({
      %run_scoped3A = tpu.sem_alloc : memref<!tpu.dma_semaphore, #tpu.memory_space<semaphore_mem>>
      %dma_start3A = arith.constant 0 : i32
      %dma_start3A_9 = tpu.memref_slice %arg6[%arg0, %mul3A_2, %dma_start3A] : memref<2x10112x128xf32, #tpu.memory_space<hbm>> -> memref<1x632x128xf32, #tpu.memory_space<hbm>>
      %dma_start3A_10 = tpu.memref_squeeze %dma_start3A_9 : memref<1x632x128xf32, #tpu.memory_space<hbm>> -> memref<632x128xf32, #tpu.memory_space<hbm>>
      %dma_start3A_11 = arith.constant 0 : i32
      %dma_start3A_12 = tpu.memref_slice %arg10[%mul3A_2, %dma_start3A_11] : memref<10112x128xf32, #tpu.memory_space<vmem_shared>> -> memref<632x128xf32, #tpu.memory_space<vmem_shared>>
      tpu.enqueue_dma source(%dma_start3A_12 : memref<632x128xf32, #tpu.memory_space<vmem_shared>>) target(%dma_start3A_10 : memref<632x128xf32, #tpu.memory_space<hbm>>) target_semaphore(%run_scoped3A : memref<!tpu.dma_semaphore, #tpu.memory_space<semaphore_mem>>)
      %dma_wait3A = arith.constant 0 : i32
      %dma_wait3A_13 = tpu.memref_slice %arg6[%arg0, %mul3A_2, %dma_wait3A] : memref<2x10112x128xf32, #tpu.memory_space<hbm>> -> memref<1x632x128xf32, #tpu.memory_space<hbm>>
      %dma_wait3A_14 = tpu.memref_squeeze %dma_wait3A_13 : memref<1x632x128xf32, #tpu.memory_space<hbm>> -> memref<632x128xf32, #tpu.memory_space<hbm>>
      %dma_wait3A_15 = arith.constant 0 : i32
      %dma_wait3A_16 = tpu.memref_slice %arg10[%mul3A_2, %dma_wait3A_15] : memref<10112x128xf32, #tpu.memory_space<vmem_shared>> -> memref<632x128xf32, #tpu.memory_space<vmem_shared>>
      tpu.wait_dma2 semaphore(%run_scoped3A : memref<!tpu.dma_semaphore, #tpu.memory_space<semaphore_mem>>) src(%dma_wait3A_16 : memref<632x128xf32, #tpu.memory_space<vmem_shared>>) dst(%dma_wait3A_14 : memref<632x128xf32, #tpu.memory_space<hbm>>)
      tpu.yield
    }) : () -> ()
    return
  }
}

#map = affine_map<(d0, d1) -> (0, 0)>
#map1 = affine_map<(d0, d1) -> (0, 0, 0)>
module attributes {stable_mosaic.version = 14 : i64} {
  func.func @sc_agg_f128(%arg0: i32, %arg1: i32, %arg2: memref<10000x128xf32, #tpu.memory_space<hbm>>, %arg3: memref<32x125x80xi32, #tpu.memory_space<hbm>>, %arg4: memref<32x125x80xi32, #tpu.memory_space<hbm>>, %arg5: memref<632x128xf32, #tpu.memory_space<hbm>>, %arg6: memref<2x10112x128xf32, #tpu.memory_space<hbm>>, %arg7: memref<125x80xi32, #tpu.memory_space<vmem>>, %arg8: memref<125x80xi32, #tpu.memory_space<vmem>>, %arg9: memref<80x128xf32, #tpu.memory_space<vmem>>, %arg10: memref<10112x128xf32, #tpu.memory_space<vmem_shared>>, %arg11: memref<!tpu.dma_semaphore, #tpu.memory_space<semaphore_mem>>) attributes {dimension_semantics = [#tpu.dimension_semantics<core_parallel>, #tpu.dimension_semantics<subcore_parallel>], iteration_bounds = array<i64: 2, 16>, scalar_prefetch = 0 : i64, scratch_operands = 5 : i64, tpu.core_type = #tpu.core_type<sc_vector_subcore>, window_params = [{transform_indices = #map}, {transform_indices = #map1}, {transform_indices = #map1}, {transform_indices = #map}, {transform_indices = #map1}]} {
    %mul3A = arith.constant 16 : i32
    %mul3A_0 = arith.muli %arg0, %mul3A : i32
    %add3A = arith.addi %mul3A_0, %arg1 : i32
    "tpu.region"() ({
      %run_scoped3A = tpu.sem_alloc : memref<!tpu.dma_semaphore, #tpu.memory_space<semaphore_mem>>
      %dma_start3A = arith.constant 0 : i32
      %dma_start3A_9 = arith.constant 0 : i32
      %dma_start3A_10 = tpu.memref_slice %arg3[%add3A, %dma_start3A, %dma_start3A_9] : memref<32x125x80xi32, #tpu.memory_space<hbm>> -> memref<1x125x80xi32, #tpu.memory_space<hbm>>
      %dma_start3A_11 = tpu.memref_squeeze %dma_start3A_10 : memref<1x125x80xi32, #tpu.memory_space<hbm>> -> memref<125x80xi32, #tpu.memory_space<hbm>>
      %dma_start3A_12 = arith.constant 0 : i32
      %dma_start3A_13 = arith.constant 0 : i32
      %dma_start3A_14 = tpu.memref_slice %arg3[%add3A, %dma_start3A_12, %dma_start3A_13] : memref<32x125x80xi32, #tpu.memory_space<hbm>> -> memref<1x125x80xi32, #tpu.memory_space<hbm>>
      %dma_start3A_15 = tpu.memref_squeeze %dma_start3A_14 : memref<1x125x80xi32, #tpu.memory_space<hbm>> -> memref<125x80xi32, #tpu.memory_space<hbm>>
      tpu.enqueue_dma source(%dma_start3A_15 : memref<125x80xi32, #tpu.memory_space<hbm>>) target(%arg7 : memref<125x80xi32, #tpu.memory_space<vmem>>) target_semaphore(%run_scoped3A : memref<!tpu.dma_semaphore, #tpu.memory_space<semaphore_mem>>)
      %dma_wait3A = arith.constant 0 : i32
      %dma_wait3A_16 = arith.constant 0 : i32
      %dma_wait3A_17 = tpu.memref_slice %arg3[%add3A, %dma_wait3A, %dma_wait3A_16] : memref<32x125x80xi32, #tpu.memory_space<hbm>> -> memref<1x125x80xi32, #tpu.memory_space<hbm>>
      %dma_wait3A_18 = tpu.memref_squeeze %dma_wait3A_17 : memref<1x125x80xi32, #tpu.memory_space<hbm>> -> memref<125x80xi32, #tpu.memory_space<hbm>>
      %dma_wait3A_19 = arith.constant 0 : i32
      %dma_wait3A_20 = arith.constant 0 : i32
      %dma_wait3A_21 = tpu.memref_slice %arg3[%add3A, %dma_wait3A_19, %dma_wait3A_20] : memref<32x125x80xi32, #tpu.memory_space<hbm>> -> memref<1x125x80xi32, #tpu.memory_space<hbm>>
      %dma_wait3A_22 = tpu.memref_squeeze %dma_wait3A_21 : memref<1x125x80xi32, #tpu.memory_space<hbm>> -> memref<125x80xi32, #tpu.memory_space<hbm>>
      tpu.wait_dma2 semaphore(%run_scoped3A : memref<!tpu.dma_semaphore, #tpu.memory_space<semaphore_mem>>) src(%dma_wait3A_22 : memref<125x80xi32, #tpu.memory_space<hbm>>) dst(%arg7 : memref<125x80xi32, #tpu.memory_space<vmem>>)
      tpu.yield
    }) : () -> ()
    "tpu.region"() ({
      %run_scoped3A = tpu.sem_alloc : memref<!tpu.dma_semaphore, #tpu.memory_space<semaphore_mem>>
      %dma_start3A = arith.constant 0 : i32
      %dma_start3A_9 = arith.constant 0 : i32
      %dma_start3A_10 = tpu.memref_slice %arg4[%add3A, %dma_start3A, %dma_start3A_9] : memref<32x125x80xi32, #tpu.memory_space<hbm>> -> memref<1x125x80xi32, #tpu.memory_space<hbm>>
      %dma_start3A_11 = tpu.memref_squeeze %dma_start3A_10 : memref<1x125x80xi32, #tpu.memory_space<hbm>> -> memref<125x80xi32, #tpu.memory_space<hbm>>
      %dma_start3A_12 = arith.constant 0 : i32
      %dma_start3A_13 = arith.constant 0 : i32
      %dma_start3A_14 = tpu.memref_slice %arg4[%add3A, %dma_start3A_12, %dma_start3A_13] : memref<32x125x80xi32, #tpu.memory_space<hbm>> -> memref<1x125x80xi32, #tpu.memory_space<hbm>>
      %dma_start3A_15 = tpu.memref_squeeze %dma_start3A_14 : memref<1x125x80xi32, #tpu.memory_space<hbm>> -> memref<125x80xi32, #tpu.memory_space<hbm>>
      tpu.enqueue_dma source(%dma_start3A_15 : memref<125x80xi32, #tpu.memory_space<hbm>>) target(%arg8 : memref<125x80xi32, #tpu.memory_space<vmem>>) target_semaphore(%run_scoped3A : memref<!tpu.dma_semaphore, #tpu.memory_space<semaphore_mem>>)
      %dma_wait3A = arith.constant 0 : i32
      %dma_wait3A_16 = arith.constant 0 : i32
      %dma_wait3A_17 = tpu.memref_slice %arg4[%add3A, %dma_wait3A, %dma_wait3A_16] : memref<32x125x80xi32, #tpu.memory_space<hbm>> -> memref<1x125x80xi32, #tpu.memory_space<hbm>>
      %dma_wait3A_18 = tpu.memref_squeeze %dma_wait3A_17 : memref<1x125x80xi32, #tpu.memory_space<hbm>> -> memref<125x80xi32, #tpu.memory_space<hbm>>
      %dma_wait3A_19 = arith.constant 0 : i32
      %dma_wait3A_20 = arith.constant 0 : i32
      %dma_wait3A_21 = tpu.memref_slice %arg4[%add3A, %dma_wait3A_19, %dma_wait3A_20] : memref<32x125x80xi32, #tpu.memory_space<hbm>> -> memref<1x125x80xi32, #tpu.memory_space<hbm>>
      %dma_wait3A_22 = tpu.memref_squeeze %dma_wait3A_21 : memref<1x125x80xi32, #tpu.memory_space<hbm>> -> memref<125x80xi32, #tpu.memory_space<hbm>>
      tpu.wait_dma2 semaphore(%run_scoped3A : memref<!tpu.dma_semaphore, #tpu.memory_space<semaphore_mem>>) src(%dma_wait3A_22 : memref<125x80xi32, #tpu.memory_space<hbm>>) dst(%arg8 : memref<125x80xi32, #tpu.memory_space<vmem>>)
      tpu.yield
    }) : () -> ()
    %mul3A_1 = arith.constant 632 : i32
    %mul3A_2 = arith.muli %arg1, %mul3A_1 : i32
    "tpu.region"() ({
      %run_scoped3A = tpu.sem_alloc : memref<!tpu.dma_semaphore, #tpu.memory_space<semaphore_mem>>
      %dma_start3A = arith.constant 0 : i32
      %dma_start3A_9 = tpu.memref_slice %arg10[%mul3A_2, %dma_start3A] : memref<10112x128xf32, #tpu.memory_space<vmem_shared>> -> memref<632x128xf32, #tpu.memory_space<vmem_shared>>
      tpu.enqueue_dma source(%arg5 : memref<632x128xf32, #tpu.memory_space<hbm>>) target(%dma_start3A_9 : memref<632x128xf32, #tpu.memory_space<vmem_shared>>) target_semaphore(%run_scoped3A : memref<!tpu.dma_semaphore, #tpu.memory_space<semaphore_mem>>)
      %dma_wait3A = arith.constant 0 : i32
      %dma_wait3A_10 = tpu.memref_slice %arg10[%mul3A_2, %dma_wait3A] : memref<10112x128xf32, #tpu.memory_space<vmem_shared>> -> memref<632x128xf32, #tpu.memory_space<vmem_shared>>
      tpu.wait_dma2 semaphore(%run_scoped3A : memref<!tpu.dma_semaphore, #tpu.memory_space<semaphore_mem>>) src(%arg5 : memref<632x128xf32, #tpu.memory_space<hbm>>) dst(%dma_wait3A_10 : memref<632x128xf32, #tpu.memory_space<vmem_shared>>)
      tpu.yield
    }) : () -> ()
    %barrier3A = arith.constant 0 : index
    tpu.barrier barrier_id(%barrier3A)
    %scan3A = arith.constant 0 : i32
    %scan3A_3 = arith.constant 0 : i32
    %scan3A_4 = arith.constant 125 : i32
    %scan3A_5 = arith.addi %scan3A_3, %scan3A_4 : i32
    %scan3A_6 = arith.constant 1 : i32
    scf.for %scan3A_9 = %scan3A_3 to %scan3A_5 step %scan3A_6  : i32 {
      %dma_start3A = arith.constant 0 : i32
      %dma_start3A_10 = tpu.memref_slice %arg7[%scan3A_9, %dma_start3A] : memref<125x80xi32, #tpu.memory_space<vmem>> -> memref<1x80xi32, #tpu.memory_space<vmem>>
      %dma_start3A_11 = tpu.memref_squeeze %dma_start3A_10 : memref<1x80xi32, #tpu.memory_space<vmem>> -> memref<80xi32, #tpu.memory_space<vmem>>
      %dma_start3A_12 = arith.constant 0 : i32
      %dma_start3A_13 = arith.constant 0 : i32
      %dma_start3A_14 = tpu.memref_slice %arg2[%dma_start3A_12, %dma_start3A_13] : memref<10000x128xf32, #tpu.memory_space<hbm>> -> memref<10000x128xf32, #tpu.memory_space<hbm>>
      tpu.enqueue_indirect_dma source(%dma_start3A_14 : memref<10000x128xf32, #tpu.memory_space<hbm>>) target(%arg9 : memref<80x128xf32, #tpu.memory_space<vmem>>) offsets(%dma_start3A_11 : memref<80xi32, #tpu.memory_space<vmem>>) semaphore(%arg11 : memref<!tpu.dma_semaphore, #tpu.memory_space<semaphore_mem>>)
      %dma_wait3A = arith.constant 0 : i32
      %dma_wait3A_15 = tpu.memref_slice %arg7[%scan3A_9, %dma_wait3A] : memref<125x80xi32, #tpu.memory_space<vmem>> -> memref<1x80xi32, #tpu.memory_space<vmem>>
      %dma_wait3A_16 = tpu.memref_squeeze %dma_wait3A_15 : memref<1x80xi32, #tpu.memory_space<vmem>> -> memref<80xi32, #tpu.memory_space<vmem>>
      %dma_wait3A_17 = arith.constant 0 : i32
      %dma_wait3A_18 = arith.constant 0 : i32
      %dma_wait3A_19 = tpu.memref_slice %arg2[%dma_wait3A_17, %dma_wait3A_18] : memref<10000x128xf32, #tpu.memory_space<hbm>> -> memref<10000x128xf32, #tpu.memory_space<hbm>>
      tpu.wait_indirect_dma semaphore(%arg11 : memref<!tpu.dma_semaphore, #tpu.memory_space<semaphore_mem>>) src(%dma_wait3A_19 : memref<10000x128xf32, #tpu.memory_space<hbm>>) dst(%arg9 : memref<80x128xf32, #tpu.memory_space<vmem>>)
      "tpu.region"() ({
        %run_scoped3A = tpu.sem_alloc : memref<!tpu.dma_semaphore, #tpu.memory_space<semaphore_mem>>
        %dma_start3A_20 = arith.constant 0 : i32
        %dma_start3A_21 = tpu.memref_slice %arg8[%scan3A_9, %dma_start3A_20] : memref<125x80xi32, #tpu.memory_space<vmem>> -> memref<1x80xi32, #tpu.memory_space<vmem>>
        %dma_start3A_22 = tpu.memref_squeeze %dma_start3A_21 : memref<1x80xi32, #tpu.memory_space<vmem>> -> memref<80xi32, #tpu.memory_space<vmem>>
        %dma_start3A_23 = arith.constant 0 : i32
        %dma_start3A_24 = arith.constant 0 : i32
        %dma_start3A_25 = tpu.memref_slice %arg10[%dma_start3A_23, %dma_start3A_24] : memref<10112x128xf32, #tpu.memory_space<vmem_shared>> -> memref<10112x128xf32, #tpu.memory_space<vmem_shared>>
        tpu.enqueue_indirect_dma source(%arg9 : memref<80x128xf32, #tpu.memory_space<vmem>>) target(%dma_start3A_25 : memref<10112x128xf32, #tpu.memory_space<vmem_shared>>) offsets(%dma_start3A_22 : memref<80xi32, #tpu.memory_space<vmem>>) semaphore(%run_scoped3A : memref<!tpu.dma_semaphore, #tpu.memory_space<semaphore_mem>>) {add = true}
        %dma_wait3A_26 = arith.constant 0 : i32
        %dma_wait3A_27 = tpu.memref_slice %arg8[%scan3A_9, %dma_wait3A_26] : memref<125x80xi32, #tpu.memory_space<vmem>> -> memref<1x80xi32, #tpu.memory_space<vmem>>
        %dma_wait3A_28 = tpu.memref_squeeze %dma_wait3A_27 : memref<1x80xi32, #tpu.memory_space<vmem>> -> memref<80xi32, #tpu.memory_space<vmem>>
        %dma_wait3A_29 = arith.constant 0 : i32
        %dma_wait3A_30 = arith.constant 0 : i32
        %dma_wait3A_31 = tpu.memref_slice %arg10[%dma_wait3A_29, %dma_wait3A_30] : memref<10112x128xf32, #tpu.memory_space<vmem_shared>> -> memref<10112x128xf32, #tpu.memory_space<vmem_shared>>
        tpu.wait_indirect_dma semaphore(%run_scoped3A : memref<!tpu.dma_semaphore, #tpu.memory_space<semaphore_mem>>) src(%arg9 : memref<80x128xf32, #tpu.memory_space<vmem>>) dst(%dma_wait3A_31 : memref<10112x128xf32, #tpu.memory_space<vmem_shared>>)
        tpu.yield
      }) : () -> ()
    }
    %scan3A_7 = arith.constant 125 : i32
    %barrier3A_8 = arith.constant 0 : index
    tpu.barrier barrier_id(%barrier3A_8)
    "tpu.region"() ({
      %run_scoped3A = tpu.sem_alloc : memref<!tpu.dma_semaphore, #tpu.memory_space<semaphore_mem>>
      %dma_start3A = arith.constant 0 : i32
      %dma_start3A_9 = tpu.memref_slice %arg6[%arg0, %mul3A_2, %dma_start3A] : memref<2x10112x128xf32, #tpu.memory_space<hbm>> -> memref<1x632x128xf32, #tpu.memory_space<hbm>>
      %dma_start3A_10 = tpu.memref_squeeze %dma_start3A_9 : memref<1x632x128xf32, #tpu.memory_space<hbm>> -> memref<632x128xf32, #tpu.memory_space<hbm>>
      %dma_start3A_11 = arith.constant 0 : i32
      %dma_start3A_12 = tpu.memref_slice %arg10[%mul3A_2, %dma_start3A_11] : memref<10112x128xf32, #tpu.memory_space<vmem_shared>> -> memref<632x128xf32, #tpu.memory_space<vmem_shared>>
      tpu.enqueue_dma source(%dma_start3A_12 : memref<632x128xf32, #tpu.memory_space<vmem_shared>>) target(%dma_start3A_10 : memref<632x128xf32, #tpu.memory_space<hbm>>) target_semaphore(%run_scoped3A : memref<!tpu.dma_semaphore, #tpu.memory_space<semaphore_mem>>)
      %dma_wait3A = arith.constant 0 : i32
      %dma_wait3A_13 = tpu.memref_slice %arg6[%arg0, %mul3A_2, %dma_wait3A] : memref<2x10112x128xf32, #tpu.memory_space<hbm>> -> memref<1x632x128xf32, #tpu.memory_space<hbm>>
      %dma_wait3A_14 = tpu.memref_squeeze %dma_wait3A_13 : memref<1x632x128xf32, #tpu.memory_space<hbm>> -> memref<632x128xf32, #tpu.memory_space<hbm>>
      %dma_wait3A_15 = arith.constant 0 : i32
      %dma_wait3A_16 = tpu.memref_slice %arg10[%mul3A_2, %dma_wait3A_15] : memref<10112x128xf32, #tpu.memory_space<vmem_shared>> -> memref<632x128xf32, #tpu.memory_space<vmem_shared>>
      tpu.wait_dma2 semaphore(%run_scoped3A : memref<!tpu.dma_semaphore, #tpu.memory_space<semaphore_mem>>) src(%dma_wait3A_16 : memref<632x128xf32, #tpu.memory_space<vmem_shared>>) dst(%dma_wait3A_14 : memref<632x128xf32, #tpu.memory_space<hbm>>)
      tpu.yield
    }) : () -> ()
    return
  }
}

module attributes {stable_mosaic.version = 14 : i64} {
  func.func @_prep_body(%arg0: memref<2x10112x8xf32, #tpu.memory_space<vmem>>, %arg1: memref<10000x8xf32, #tpu.memory_space<vmem>>, %arg2: memref<10000x1xf32, #tpu.memory_space<vmem>>, %arg3: memref<10000x8xf32, #tpu.memory_space<vmem>>) attributes {dimension_semantics = [], scalar_prefetch = 0 : i64, scratch_operands = 0 : i64, tpu.core_type = #tpu.core_type<tc>} {
    %get3A = arith.constant 0 : index
    %get3A_0 = arith.constant 0 : index
    %get3A_1 = arith.constant 0 : index
    %get3A_2 = vector.load %arg0[%get3A, %get3A_0, %get3A_1] : memref<2x10112x8xf32, #tpu.memory_space<vmem>>, vector<1x10000x1xf32>
    %get3A_3 = vector.shape_cast %get3A_2 : vector<1x10000x1xf32> to vector<10000x1xf32>
    %get3A_4 = arith.constant 1 : index
    %get3A_5 = arith.constant 0 : index
    %get3A_6 = arith.constant 0 : index
    %get3A_7 = vector.load %arg0[%get3A_4, %get3A_5, %get3A_6] : memref<2x10112x8xf32, #tpu.memory_space<vmem>>, vector<1x10000x1xf32>
    %get3A_8 = vector.shape_cast %get3A_7 : vector<1x10000x1xf32> to vector<10000x1xf32>
    %add3A = arith.addf %get3A_3, %get3A_8 : vector<10000x1xf32>
    %add3A_9 = arith.constant 1.000000e+00 : f32
    %add3A_10 = vector.broadcast %add3A_9 : f32 to vector<10000x1xf32>
    %add3A_11 = arith.addf %add3A, %add3A_10 : vector<10000x1xf32>
    %rsqrt3A = math.rsqrt %add3A_11 : vector<10000x1xf32>
    %swap3A = arith.constant 0 : index
    %swap3A_12 = arith.constant 0 : index
    %swap3A_13 = vector.load %arg2[%swap3A, %swap3A_12] : memref<10000x1xf32, #tpu.memory_space<vmem>>, vector<10000x1xf32>
    tpu.vector_store %arg2[%swap3A, %swap3A_12], %rsqrt3A {strides = array<i32>} : memref<10000x1xf32, #tpu.memory_space<vmem>>, vector<10000x1xf32>,
    %get3A_14 = arith.constant 0 : index
    %get3A_15 = arith.constant 0 : index
    %get3A_16 = vector.load %arg1[%get3A_14, %get3A_15] : memref<10000x8xf32, #tpu.memory_space<vmem>>, vector<10000x8xf32>
    %mul3A = vector.broadcast %rsqrt3A : vector<10000x1xf32> to vector<10000x8xf32>
    %mul3A_17 = arith.mulf %mul3A, %get3A_16 : vector<10000x8xf32>
    %swap3A_18 = arith.constant 0 : index
    %swap3A_19 = arith.constant 0 : index
    %swap3A_20 = vector.load %arg3[%swap3A_18, %swap3A_19] : memref<10000x8xf32, #tpu.memory_space<vmem>>, vector<10000x8xf32>
    tpu.vector_store %arg3[%swap3A_18, %swap3A_19], %mul3A_17 {strides = array<i32>} : memref<10000x8xf32, #tpu.memory_space<vmem>>, vector<10000x8xf32>,
    return
  }
}

module attributes {stable_mosaic.version = 14 : i64} {
  func.func @_layer_body(%arg0: memref<2x10112x8xf32, #tpu.memory_space<vmem>>, %arg1: memref<10000x8xf32, #tpu.memory_space<vmem>>, %arg2: memref<10000x1xf32, #tpu.memory_space<vmem>>, %arg3: memref<8x64xf32, #tpu.memory_space<vmem>>, %arg4: memref<1x64xf32, #tpu.memory_space<vmem>>, %arg5: memref<10000x64xf32, #tpu.memory_space<vmem>>) attributes {dimension_semantics = [], scalar_prefetch = 0 : i64, scratch_operands = 0 : i64, tpu.core_type = #tpu.core_type<tc>} {
    %get3A = arith.constant 0 : index
    %get3A_0 = arith.constant 0 : index
    %get3A_1 = vector.load %arg2[%get3A, %get3A_0] : memref<10000x1xf32, #tpu.memory_space<vmem>>, vector<10000x1xf32>
    %get3A_2 = arith.constant 0 : index
    %get3A_3 = arith.constant 0 : index
    %get3A_4 = arith.constant 0 : index
    %get3A_5 = vector.load %arg0[%get3A_2, %get3A_3, %get3A_4] : memref<2x10112x8xf32, #tpu.memory_space<vmem>>, vector<1x10000x8xf32>
    %get3A_6 = vector.shape_cast %get3A_5 : vector<1x10000x8xf32> to vector<10000x8xf32>
    %get3A_7 = arith.constant 1 : index
    %get3A_8 = arith.constant 0 : index
    %get3A_9 = arith.constant 0 : index
    %get3A_10 = vector.load %arg0[%get3A_7, %get3A_8, %get3A_9] : memref<2x10112x8xf32, #tpu.memory_space<vmem>>, vector<1x10000x8xf32>
    %get3A_11 = vector.shape_cast %get3A_10 : vector<1x10000x8xf32> to vector<10000x8xf32>
    %add3A = arith.addf %get3A_6, %get3A_11 : vector<10000x8xf32>
    %get3A_12 = arith.constant 0 : index
    %get3A_13 = arith.constant 0 : index
    %get3A_14 = vector.load %arg1[%get3A_12, %get3A_13] : memref<10000x8xf32, #tpu.memory_space<vmem>>, vector<10000x8xf32>
    %add3A_15 = arith.addf %add3A, %get3A_14 : vector<10000x8xf32>
    %mul3A = vector.broadcast %get3A_1 : vector<10000x1xf32> to vector<10000x8xf32>
    %mul3A_16 = arith.mulf %mul3A, %add3A_15 : vector<10000x8xf32>
    %get3A_17 = arith.constant 0 : index
    %get3A_18 = arith.constant 0 : index
    %get3A_19 = vector.load %arg3[%get3A_17, %get3A_18] : memref<8x64xf32, #tpu.memory_space<vmem>>, vector<8x64xf32>
    %dot_general3A = arith.constant dense<0.000000e+00> : vector<10000x64xf32>
    %dot_general3A_20 = tpu.matmul %mul3A_16, %get3A_19, %dot_general3A {dimension_numbers = #tpu.dot_dimension_numbers<[1], [0], [0], [1], [0, 0, 1, 1], [], []>, transpose_lhs_hint = false} : vector<10000x8xf32>, vector<8x64xf32>, vector<10000x64xf32> -> vector<10000x64xf32>
    %get3A_21 = arith.constant 0 : index
    %get3A_22 = arith.constant 0 : index
    %get3A_23 = vector.load %arg4[%get3A_21, %get3A_22] : memref<1x64xf32, #tpu.memory_space<vmem>>, vector<1x64xf32>
    %add3A_24 = vector.broadcast %get3A_23 : vector<1x64xf32> to vector<10000x64xf32>
    %add3A_25 = arith.addf %dot_general3A_20, %add3A_24 : vector<10000x64xf32>
    %max3A = arith.constant 0.000000e+00 : f32
    %max3A_26 = vector.broadcast %max3A : f32 to vector<10000x64xf32>
    %max3A_27 = arith.maximumf %add3A_25, %max3A_26 : vector<10000x64xf32>
    %mul3A_28 = vector.broadcast %get3A_1 : vector<10000x1xf32> to vector<10000x64xf32>
    %mul3A_29 = arith.mulf %mul3A_28, %max3A_27 : vector<10000x64xf32>
    %swap3A = arith.constant 0 : index
    %swap3A_30 = arith.constant 0 : index
    %swap3A_31 = vector.load %arg5[%swap3A, %swap3A_30] : memref<10000x64xf32, #tpu.memory_space<vmem>>, vector<10000x64xf32>
    tpu.vector_store %arg5[%swap3A, %swap3A_30], %mul3A_29 {strides = array<i32>} : memref<10000x64xf32, #tpu.memory_space<vmem>>, vector<10000x64xf32>,
    return
  }
}

module attributes {stable_mosaic.version = 14 : i64} {
  func.func @_layer2_body(%arg0: memref<2x10112x64xf32, #tpu.memory_space<vmem>>, %arg1: memref<10000x64xf32, #tpu.memory_space<vmem>>, %arg2: memref<10000x1xf32, #tpu.memory_space<vmem>>, %arg3: memref<64x128xf32, #tpu.memory_space<vmem>>, %arg4: memref<1x128xf32, #tpu.memory_space<vmem>>, %arg5: memref<128x256xf32, #tpu.memory_space<vmem>>, %arg6: memref<10000x128xf32, #tpu.memory_space<vmem>>, %arg7: memref<10000x128xf32, #tpu.memory_space<vmem>>) attributes {dimension_semantics = [], scalar_prefetch = 0 : i64, scratch_operands = 0 : i64, tpu.core_type = #tpu.core_type<tc>} {
    %get3A = arith.constant 0 : index
    %get3A_0 = arith.constant 0 : index
    %get3A_1 = vector.load %arg2[%get3A, %get3A_0] : memref<10000x1xf32, #tpu.memory_space<vmem>>, vector<10000x1xf32>
    %get3A_2 = arith.constant 0 : index
    %get3A_3 = arith.constant 0 : index
    %get3A_4 = arith.constant 0 : index
    %get3A_5 = vector.load %arg0[%get3A_2, %get3A_3, %get3A_4] : memref<2x10112x64xf32, #tpu.memory_space<vmem>>, vector<1x10000x64xf32>
    %get3A_6 = vector.shape_cast %get3A_5 : vector<1x10000x64xf32> to vector<10000x64xf32>
    %get3A_7 = arith.constant 1 : index
    %get3A_8 = arith.constant 0 : index
    %get3A_9 = arith.constant 0 : index
    %get3A_10 = vector.load %arg0[%get3A_7, %get3A_8, %get3A_9] : memref<2x10112x64xf32, #tpu.memory_space<vmem>>, vector<1x10000x64xf32>
    %get3A_11 = vector.shape_cast %get3A_10 : vector<1x10000x64xf32> to vector<10000x64xf32>
    %add3A = arith.addf %get3A_6, %get3A_11 : vector<10000x64xf32>
    %get3A_12 = arith.constant 0 : index
    %get3A_13 = arith.constant 0 : index
    %get3A_14 = vector.load %arg1[%get3A_12, %get3A_13] : memref<10000x64xf32, #tpu.memory_space<vmem>>, vector<10000x64xf32>
    %add3A_15 = arith.addf %add3A, %get3A_14 : vector<10000x64xf32>
    %mul3A = vector.broadcast %get3A_1 : vector<10000x1xf32> to vector<10000x64xf32>
    %mul3A_16 = arith.mulf %mul3A, %add3A_15 : vector<10000x64xf32>
    %get3A_17 = arith.constant 0 : index
    %get3A_18 = arith.constant 0 : index
    %get3A_19 = vector.load %arg3[%get3A_17, %get3A_18] : memref<64x128xf32, #tpu.memory_space<vmem>>, vector<64x128xf32>
    %dot_general3A = arith.constant dense<0.000000e+00> : vector<10000x128xf32>
    %dot_general3A_20 = tpu.matmul %mul3A_16, %get3A_19, %dot_general3A {dimension_numbers = #tpu.dot_dimension_numbers<[1], [0], [0], [1], [0, 0, 1, 1], [], []>, transpose_lhs_hint = false} : vector<10000x64xf32>, vector<64x128xf32>, vector<10000x128xf32> -> vector<10000x128xf32>
    %get3A_21 = arith.constant 0 : index
    %get3A_22 = arith.constant 0 : index
    %get3A_23 = vector.load %arg4[%get3A_21, %get3A_22] : memref<1x128xf32, #tpu.memory_space<vmem>>, vector<1x128xf32>
    %add3A_24 = vector.broadcast %get3A_23 : vector<1x128xf32> to vector<10000x128xf32>
    %add3A_25 = arith.addf %dot_general3A_20, %add3A_24 : vector<10000x128xf32>
    %max3A = arith.constant 0.000000e+00 : f32
    %max3A_26 = vector.broadcast %max3A : f32 to vector<10000x128xf32>
    %max3A_27 = arith.maximumf %add3A_25, %max3A_26 : vector<10000x128xf32>
    %get3A_28 = arith.constant 0 : index
    %get3A_29 = arith.constant 0 : index
    %get3A_30 = vector.load %arg5[%get3A_28, %get3A_29] : memref<128x256xf32, #tpu.memory_space<vmem>>, vector<128x256xf32>
    %dot_general3A_31 = arith.constant dense<0.000000e+00> : vector<10000x256xf32>
    %dot_general3A_32 = tpu.matmul %max3A_27, %get3A_30, %dot_general3A_31 {dimension_numbers = #tpu.dot_dimension_numbers<[1], [0], [0], [1], [0, 0, 1, 1], [], []>, transpose_lhs_hint = false} : vector<10000x128xf32>, vector<128x256xf32>, vector<10000x256xf32> -> vector<10000x256xf32>
    %slice3A = vector.extract_strided_slice %dot_general3A_32 {offsets = [0, 0], sizes = [10000, 128], strides = [1, 1]} : vector<10000x256xf32> to vector<10000x128xf32>
    %mul3A_33 = vector.broadcast %get3A_1 : vector<10000x1xf32> to vector<10000x128xf32>
    %mul3A_34 = arith.mulf %mul3A_33, %slice3A : vector<10000x128xf32>
    %swap3A = arith.constant 0 : index
    %swap3A_35 = arith.constant 0 : index
    %swap3A_36 = vector.load %arg6[%swap3A, %swap3A_35] : memref<10000x128xf32, #tpu.memory_space<vmem>>, vector<10000x128xf32>
    tpu.vector_store %arg6[%swap3A, %swap3A_35], %mul3A_34 {strides = array<i32>} : memref<10000x128xf32, #tpu.memory_space<vmem>>, vector<10000x128xf32>,
    %slice3A_37 = vector.extract_strided_slice %dot_general3A_32 {offsets = [0, 128], sizes = [10000, 128], strides = [1, 1]} : vector<10000x256xf32> to vector<10000x128xf32>
    %mul3A_38 = vector.broadcast %get3A_1 : vector<10000x1xf32> to vector<10000x128xf32>
    %mul3A_39 = arith.mulf %mul3A_38, %slice3A_37 : vector<10000x128xf32>
    %swap3A_40 = arith.constant 0 : index
    %swap3A_41 = arith.constant 0 : index
    %swap3A_42 = vector.load %arg7[%swap3A_40, %swap3A_41] : memref<10000x128xf32, #tpu.memory_space<vmem>>, vector<10000x128xf32>
    tpu.vector_store %arg7[%swap3A_40, %swap3A_41], %mul3A_39 {strides = array<i32>} : memref<10000x128xf32, #tpu.memory_space<vmem>>, vector<10000x128xf32>,
    return
  }
}

module attributes {stable_mosaic.version = 14 : i64} {
  func.func @_h3_body(%arg0: memref<2x10112x128xf32, #tpu.memory_space<vmem>>, %arg1: memref<2x10112x128xf32, #tpu.memory_space<vmem>>, %arg2: memref<10000x128xf32, #tpu.memory_space<vmem>>, %arg3: memref<10000x128xf32, #tpu.memory_space<vmem>>, %arg4: memref<10000x1xf32, #tpu.memory_space<vmem>>, %arg5: memref<1x256xf32, #tpu.memory_space<vmem>>, %arg6: memref<10000x256xf32, #tpu.memory_space<vmem>>) attributes {dimension_semantics = [], scalar_prefetch = 0 : i64, scratch_operands = 0 : i64, tpu.core_type = #tpu.core_type<tc>} {
    %get3A = arith.constant 0 : index
    %get3A_0 = arith.constant 0 : index
    %get3A_1 = vector.load %arg4[%get3A, %get3A_0] : memref<10000x1xf32, #tpu.memory_space<vmem>>, vector<10000x1xf32>
    %get3A_2 = arith.constant 0 : index
    %get3A_3 = arith.constant 0 : index
    %get3A_4 = arith.constant 0 : index
    %get3A_5 = vector.load %arg0[%get3A_2, %get3A_3, %get3A_4] : memref<2x10112x128xf32, #tpu.memory_space<vmem>>, vector<1x10000x128xf32>
    %get3A_6 = vector.shape_cast %get3A_5 : vector<1x10000x128xf32> to vector<10000x128xf32>
    %get3A_7 = arith.constant 1 : index
    %get3A_8 = arith.constant 0 : index
    %get3A_9 = arith.constant 0 : index
    %get3A_10 = vector.load %arg0[%get3A_7, %get3A_8, %get3A_9] : memref<2x10112x128xf32, #tpu.memory_space<vmem>>, vector<1x10000x128xf32>
    %get3A_11 = vector.shape_cast %get3A_10 : vector<1x10000x128xf32> to vector<10000x128xf32>
    %add3A = arith.addf %get3A_6, %get3A_11 : vector<10000x128xf32>
    %get3A_12 = arith.constant 0 : index
    %get3A_13 = arith.constant 0 : index
    %get3A_14 = vector.load %arg2[%get3A_12, %get3A_13] : memref<10000x128xf32, #tpu.memory_space<vmem>>, vector<10000x128xf32>
    %add3A_15 = arith.addf %add3A, %get3A_14 : vector<10000x128xf32>
    %mul3A = vector.broadcast %get3A_1 : vector<10000x1xf32> to vector<10000x128xf32>
    %mul3A_16 = arith.mulf %mul3A, %add3A_15 : vector<10000x128xf32>
    %get3A_17 = arith.constant 0 : index
    %get3A_18 = arith.constant 0 : index
    %get3A_19 = arith.constant 0 : index
    %get3A_20 = vector.load %arg1[%get3A_17, %get3A_18, %get3A_19] : memref<2x10112x128xf32, #tpu.memory_space<vmem>>, vector<1x10000x128xf32>
    %get3A_21 = vector.shape_cast %get3A_20 : vector<1x10000x128xf32> to vector<10000x128xf32>
    %get3A_22 = arith.constant 1 : index
    %get3A_23 = arith.constant 0 : index
    %get3A_24 = arith.constant 0 : index
    %get3A_25 = vector.load %arg1[%get3A_22, %get3A_23, %get3A_24] : memref<2x10112x128xf32, #tpu.memory_space<vmem>>, vector<1x10000x128xf32>
    %get3A_26 = vector.shape_cast %get3A_25 : vector<1x10000x128xf32> to vector<10000x128xf32>
    %add3A_27 = arith.addf %get3A_21, %get3A_26 : vector<10000x128xf32>
    %get3A_28 = arith.constant 0 : index
    %get3A_29 = arith.constant 0 : index
    %get3A_30 = vector.load %arg3[%get3A_28, %get3A_29] : memref<10000x128xf32, #tpu.memory_space<vmem>>, vector<10000x128xf32>
    %add3A_31 = arith.addf %add3A_27, %get3A_30 : vector<10000x128xf32>
    %mul3A_32 = vector.broadcast %get3A_1 : vector<10000x1xf32> to vector<10000x128xf32>
    %mul3A_33 = arith.mulf %mul3A_32, %add3A_31 : vector<10000x128xf32>
    %concatenate3A = tpu.concatenate %mul3A_16, %mul3A_33 in 1 : vector<10000x128xf32>, vector<10000x128xf32> -> vector<10000x256xf32>
    %get3A_34 = arith.constant 0 : index
    %get3A_35 = arith.constant 0 : index
    %get3A_36 = vector.load %arg5[%get3A_34, %get3A_35] : memref<1x256xf32, #tpu.memory_space<vmem>>, vector<1x256xf32>
    %add3A_37 = vector.broadcast %get3A_36 : vector<1x256xf32> to vector<10000x256xf32>
    %add3A_38 = arith.addf %concatenate3A, %add3A_37 : vector<10000x256xf32>
    %max3A = arith.constant 0.000000e+00 : f32
    %max3A_39 = vector.broadcast %max3A : f32 to vector<10000x256xf32>
    %max3A_40 = arith.maximumf %add3A_38, %max3A_39 : vector<10000x256xf32>
    %swap3A = arith.constant 0 : index
    %swap3A_41 = arith.constant 0 : index
    %swap3A_42 = vector.load %arg6[%swap3A, %swap3A_41] : memref<10000x256xf32, #tpu.memory_space<vmem>>, vector<10000x256xf32>
    tpu.vector_store %arg6[%swap3A, %swap3A_41], %max3A_40 {strides = array<i32>} : memref<10000x256xf32, #tpu.memory_space<vmem>>, vector<10000x256xf32>,
    return
  }
}

module attributes {stable_mosaic.version = 14 : i64} {
  func.func @_tail_body(%arg0: memref<10000x256xf32, #tpu.memory_space<vmem>>, %arg1: memref<256x256xf32, #tpu.memory_space<vmem>>, %arg2: memref<1x256xf32, #tpu.memory_space<vmem>>, %arg3: memref<1x256xf32, #tpu.memory_space<vmem>>, %arg4: memref<1x256xf32, #tpu.memory_space<vmem>>, %arg5: memref<256x256xf32, #tpu.memory_space<vmem>>, %arg6: memref<1x256xf32, #tpu.memory_space<vmem>>, %arg7: memref<1x256xf32, #tpu.memory_space<vmem>>, %arg8: memref<1x256xf32, #tpu.memory_space<vmem>>, %arg9: memref<256x128xf32, #tpu.memory_space<vmem>>, %arg10: memref<1x128xf32, #tpu.memory_space<vmem>>, %arg11: memref<1x128xf32, #tpu.memory_space<vmem>>, %arg12: memref<1x128xf32, #tpu.memory_space<vmem>>, %arg13: memref<128x256xf32, #tpu.memory_space<vmem>>, %arg14: memref<1x256xf32, #tpu.memory_space<vmem>>, %arg15: memref<256x256xf32, #tpu.memory_space<vmem>>, %arg16: memref<1x256xf32, #tpu.memory_space<vmem>>, %arg17: memref<256x4096xf32, #tpu.memory_space<vmem>>, %arg18: memref<1x4096xf32, #tpu.memory_space<vmem>>, %arg19: memref<1x4096xf32, #tpu.memory_space<vmem>>) attributes {dimension_semantics = [], scalar_prefetch = 0 : i64, scratch_operands = 0 : i64, tpu.core_type = #tpu.core_type<tc>} {
    %get3A = arith.constant 0 : index
    %get3A_0 = arith.constant 0 : index
    %get3A_1 = vector.load %arg0[%get3A, %get3A_0] : memref<10000x256xf32, #tpu.memory_space<vmem>>, vector<10000x256xf32>
    %get3A_2 = arith.constant 0 : index
    %get3A_3 = arith.constant 0 : index
    %get3A_4 = vector.load %arg1[%get3A_2, %get3A_3] : memref<256x256xf32, #tpu.memory_space<vmem>>, vector<256x256xf32>
    %dot_general3A = arith.constant dense<0.000000e+00> : vector<10000x256xf32>
    %dot_general3A_5 = tpu.matmul %get3A_1, %get3A_4, %dot_general3A {dimension_numbers = #tpu.dot_dimension_numbers<[1], [0], [0], [1], [0, 0, 1, 1], [], []>, transpose_lhs_hint = false} : vector<10000x256xf32>, vector<256x256xf32>, vector<10000x256xf32> -> vector<10000x256xf32>
    %get3A_6 = arith.constant 0 : index
    %get3A_7 = arith.constant 0 : index
    %get3A_8 = vector.load %arg2[%get3A_6, %get3A_7] : memref<1x256xf32, #tpu.memory_space<vmem>>, vector<1x256xf32>
    %add3A = vector.broadcast %get3A_8 : vector<1x256xf32> to vector<10000x256xf32>
    %add3A_9 = arith.addf %dot_general3A_5, %add3A : vector<10000x256xf32>
    %get3A_10 = arith.constant 0 : index
    %get3A_11 = arith.constant 0 : index
    %get3A_12 = vector.load %arg3[%get3A_10, %get3A_11] : memref<1x256xf32, #tpu.memory_space<vmem>>, vector<1x256xf32>
    %get3A_13 = arith.constant 0 : index
    %get3A_14 = arith.constant 0 : index
    %get3A_15 = vector.load %arg4[%get3A_13, %get3A_14] : memref<1x256xf32, #tpu.memory_space<vmem>>, vector<1x256xf32>
    %reduce_sum3A = arith.constant dense<0.000000e+00> : vector<256xf32>
    %reduce_sum3A_16 = vector.multi_reduction <add>, %add3A_9, %reduce_sum3A [0] : vector<10000x256xf32> to vector<256xf32>
    %broadcast_in_dim3A = vector.shape_cast %reduce_sum3A_16 : vector<256xf32> to vector<1x256xf32>
    %div3A = arith.constant 1.000000e+04 : f32
    %div3A_17 = vector.broadcast %div3A : f32 to vector<1x256xf32>
    %div3A_18 = arith.divf %broadcast_in_dim3A, %div3A_17 : vector<1x256xf32>
    %sub3A = vector.broadcast %div3A_18 : vector<1x256xf32> to vector<10000x256xf32>
    %sub3A_19 = arith.subf %add3A_9, %sub3A : vector<10000x256xf32>
    %integer_pow3A = arith.mulf %sub3A_19, %sub3A_19 : vector<10000x256xf32>
    %reduce_sum3A_20 = arith.constant dense<0.000000e+00> : vector<256xf32>
    %reduce_sum3A_21 = vector.multi_reduction <add>, %integer_pow3A, %reduce_sum3A_20 [0] : vector<10000x256xf32> to vector<256xf32>
    %broadcast_in_dim3A_22 = vector.shape_cast %reduce_sum3A_21 : vector<256xf32> to vector<1x256xf32>
    %div3A_23 = arith.constant 1.000000e+04 : f32
    %div3A_24 = vector.broadcast %div3A_23 : f32 to vector<1x256xf32>
    %div3A_25 = arith.divf %broadcast_in_dim3A_22, %div3A_24 : vector<1x256xf32>
    %sub3A_26 = vector.broadcast %div3A_18 : vector<1x256xf32> to vector<10000x256xf32>
    %sub3A_27 = arith.subf %add3A_9, %sub3A_26 : vector<10000x256xf32>
    %mul3A = vector.broadcast %get3A_12 : vector<1x256xf32> to vector<10000x256xf32>
    %mul3A_28 = arith.mulf %mul3A, %sub3A_27 : vector<10000x256xf32>
    %add3A_29 = arith.constant 9.99999974E-6 : f32
    %add3A_30 = vector.broadcast %add3A_29 : f32 to vector<1x256xf32>
    %add3A_31 = arith.addf %div3A_25, %add3A_30 : vector<1x256xf32>
    %sqrt3A = math.sqrt %add3A_31 : vector<1x256xf32>
    %div3A_32 = vector.broadcast %sqrt3A : vector<1x256xf32> to vector<10000x256xf32>
    %div3A_33 = arith.divf %mul3A_28, %div3A_32 : vector<10000x256xf32>
    %add3A_34 = vector.broadcast %get3A_15 : vector<1x256xf32> to vector<10000x256xf32>
    %add3A_35 = arith.addf %div3A_33, %add3A_34 : vector<10000x256xf32>
    %max3A = arith.constant 0.000000e+00 : f32
    %max3A_36 = vector.broadcast %max3A : f32 to vector<10000x256xf32>
    %max3A_37 = arith.maximumf %add3A_35, %max3A_36 : vector<10000x256xf32>
    %get3A_38 = arith.constant 0 : index
    %get3A_39 = arith.constant 0 : index
    %get3A_40 = vector.load %arg5[%get3A_38, %get3A_39] : memref<256x256xf32, #tpu.memory_space<vmem>>, vector<256x256xf32>
    %dot_general3A_41 = arith.constant dense<0.000000e+00> : vector<10000x256xf32>
    %dot_general3A_42 = tpu.matmul %max3A_37, %get3A_40, %dot_general3A_41 {dimension_numbers = #tpu.dot_dimension_numbers<[1], [0], [0], [1], [0, 0, 1, 1], [], []>, transpose_lhs_hint = false} : vector<10000x256xf32>, vector<256x256xf32>, vector<10000x256xf32> -> vector<10000x256xf32>
    %get3A_43 = arith.constant 0 : index
    %get3A_44 = arith.constant 0 : index
    %get3A_45 = vector.load %arg6[%get3A_43, %get3A_44] : memref<1x256xf32, #tpu.memory_space<vmem>>, vector<1x256xf32>
    %add3A_46 = vector.broadcast %get3A_45 : vector<1x256xf32> to vector<10000x256xf32>
    %add3A_47 = arith.addf %dot_general3A_42, %add3A_46 : vector<10000x256xf32>
    %get3A_48 = arith.constant 0 : index
    %get3A_49 = arith.constant 0 : index
    %get3A_50 = vector.load %arg7[%get3A_48, %get3A_49] : memref<1x256xf32, #tpu.memory_space<vmem>>, vector<1x256xf32>
    %get3A_51 = arith.constant 0 : index
    %get3A_52 = arith.constant 0 : index
    %get3A_53 = vector.load %arg8[%get3A_51, %get3A_52] : memref<1x256xf32, #tpu.memory_space<vmem>>, vector<1x256xf32>
    %reduce_sum3A_54 = arith.constant dense<0.000000e+00> : vector<256xf32>
    %reduce_sum3A_55 = vector.multi_reduction <add>, %add3A_47, %reduce_sum3A_54 [0] : vector<10000x256xf32> to vector<256xf32>
    %broadcast_in_dim3A_56 = vector.shape_cast %reduce_sum3A_55 : vector<256xf32> to vector<1x256xf32>
    %div3A_57 = arith.constant 1.000000e+04 : f32
    %div3A_58 = vector.broadcast %div3A_57 : f32 to vector<1x256xf32>
    %div3A_59 = arith.divf %broadcast_in_dim3A_56, %div3A_58 : vector<1x256xf32>
    %sub3A_60 = vector.broadcast %div3A_59 : vector<1x256xf32> to vector<10000x256xf32>
    %sub3A_61 = arith.subf %add3A_47, %sub3A_60 : vector<10000x256xf32>
    %integer_pow3A_62 = arith.mulf %sub3A_61, %sub3A_61 : vector<10000x256xf32>
    %reduce_sum3A_63 = arith.constant dense<0.000000e+00> : vector<256xf32>
    %reduce_sum3A_64 = vector.multi_reduction <add>, %integer_pow3A_62, %reduce_sum3A_63 [0] : vector<10000x256xf32> to vector<256xf32>
    %broadcast_in_dim3A_65 = vector.shape_cast %reduce_sum3A_64 : vector<256xf32> to vector<1x256xf32>
    %div3A_66 = arith.constant 1.000000e+04 : f32
    %div3A_67 = vector.broadcast %div3A_66 : f32 to vector<1x256xf32>
    %div3A_68 = arith.divf %broadcast_in_dim3A_65, %div3A_67 : vector<1x256xf32>
    %sub3A_69 = vector.broadcast %div3A_59 : vector<1x256xf32> to vector<10000x256xf32>
    %sub3A_70 = arith.subf %add3A_47, %sub3A_69 : vector<10000x256xf32>
    %mul3A_71 = vector.broadcast %get3A_50 : vector<1x256xf32> to vector<10000x256xf32>
    %mul3A_72 = arith.mulf %mul3A_71, %sub3A_70 : vector<10000x256xf32>
    %add3A_73 = arith.constant 9.99999974E-6 : f32
    %add3A_74 = vector.broadcast %add3A_73 : f32 to vector<1x256xf32>
    %add3A_75 = arith.addf %div3A_68, %add3A_74 : vector<1x256xf32>
    %sqrt3A_76 = math.sqrt %add3A_75 : vector<1x256xf32>
    %div3A_77 = vector.broadcast %sqrt3A_76 : vector<1x256xf32> to vector<10000x256xf32>
    %div3A_78 = arith.divf %mul3A_72, %div3A_77 : vector<10000x256xf32>
    %add3A_79 = vector.broadcast %get3A_53 : vector<1x256xf32> to vector<10000x256xf32>
    %add3A_80 = arith.addf %div3A_78, %add3A_79 : vector<10000x256xf32>
    %max3A_81 = arith.constant 0.000000e+00 : f32
    %max3A_82 = vector.broadcast %max3A_81 : f32 to vector<10000x256xf32>
    %max3A_83 = arith.maximumf %add3A_80, %max3A_82 : vector<10000x256xf32>
    %get3A_84 = arith.constant 0 : index
    %get3A_85 = arith.constant 0 : index
    %get3A_86 = vector.load %arg9[%get3A_84, %get3A_85] : memref<256x128xf32, #tpu.memory_space<vmem>>, vector<256x128xf32>
    %dot_general3A_87 = arith.constant dense<0.000000e+00> : vector<10000x128xf32>
    %dot_general3A_88 = tpu.matmul %max3A_83, %get3A_86, %dot_general3A_87 {dimension_numbers = #tpu.dot_dimension_numbers<[1], [0], [0], [1], [0, 0, 1, 1], [], []>, transpose_lhs_hint = false} : vector<10000x256xf32>, vector<256x128xf32>, vector<10000x128xf32> -> vector<10000x128xf32>
    %get3A_89 = arith.constant 0 : index
    %get3A_90 = arith.constant 0 : index
    %get3A_91 = vector.load %arg10[%get3A_89, %get3A_90] : memref<1x128xf32, #tpu.memory_space<vmem>>, vector<1x128xf32>
    %add3A_92 = vector.broadcast %get3A_91 : vector<1x128xf32> to vector<10000x128xf32>
    %add3A_93 = arith.addf %dot_general3A_88, %add3A_92 : vector<10000x128xf32>
    %get3A_94 = arith.constant 0 : index
    %get3A_95 = arith.constant 0 : index
    %get3A_96 = vector.load %arg11[%get3A_94, %get3A_95] : memref<1x128xf32, #tpu.memory_space<vmem>>, vector<1x128xf32>
    %get3A_97 = arith.constant 0 : index
    %get3A_98 = arith.constant 0 : index
    %get3A_99 = vector.load %arg12[%get3A_97, %get3A_98] : memref<1x128xf32, #tpu.memory_space<vmem>>, vector<1x128xf32>
    %reduce_sum3A_100 = arith.constant dense<0.000000e+00> : vector<128xf32>
    %reduce_sum3A_101 = vector.multi_reduction <add>, %add3A_93, %reduce_sum3A_100 [0] : vector<10000x128xf32> to vector<128xf32>
    %broadcast_in_dim3A_102 = vector.shape_cast %reduce_sum3A_101 : vector<128xf32> to vector<1x128xf32>
    %div3A_103 = arith.constant 1.000000e+04 : f32
    %div3A_104 = vector.broadcast %div3A_103 : f32 to vector<1x128xf32>
    %div3A_105 = arith.divf %broadcast_in_dim3A_102, %div3A_104 : vector<1x128xf32>
    %sub3A_106 = vector.broadcast %div3A_105 : vector<1x128xf32> to vector<10000x128xf32>
    %sub3A_107 = arith.subf %add3A_93, %sub3A_106 : vector<10000x128xf32>
    %integer_pow3A_108 = arith.mulf %sub3A_107, %sub3A_107 : vector<10000x128xf32>
    %reduce_sum3A_109 = arith.constant dense<0.000000e+00> : vector<128xf32>
    %reduce_sum3A_110 = vector.multi_reduction <add>, %integer_pow3A_108, %reduce_sum3A_109 [0] : vector<10000x128xf32> to vector<128xf32>
    %broadcast_in_dim3A_111 = vector.shape_cast %reduce_sum3A_110 : vector<128xf32> to vector<1x128xf32>
    %div3A_112 = arith.constant 1.000000e+04 : f32
    %div3A_113 = vector.broadcast %div3A_112 : f32 to vector<1x128xf32>
    %div3A_114 = arith.divf %broadcast_in_dim3A_111, %div3A_113 : vector<1x128xf32>
    %sub3A_115 = vector.broadcast %div3A_105 : vector<1x128xf32> to vector<10000x128xf32>
    %sub3A_116 = arith.subf %add3A_93, %sub3A_115 : vector<10000x128xf32>
    %mul3A_117 = vector.broadcast %get3A_96 : vector<1x128xf32> to vector<10000x128xf32>
    %mul3A_118 = arith.mulf %mul3A_117, %sub3A_116 : vector<10000x128xf32>
    %add3A_119 = arith.constant 9.99999974E-6 : f32
    %add3A_120 = vector.broadcast %add3A_119 : f32 to vector<1x128xf32>
    %add3A_121 = arith.addf %div3A_114, %add3A_120 : vector<1x128xf32>
    %sqrt3A_122 = math.sqrt %add3A_121 : vector<1x128xf32>
    %div3A_123 = vector.broadcast %sqrt3A_122 : vector<1x128xf32> to vector<10000x128xf32>
    %div3A_124 = arith.divf %mul3A_118, %div3A_123 : vector<10000x128xf32>
    %add3A_125 = vector.broadcast %get3A_99 : vector<1x128xf32> to vector<10000x128xf32>
    %add3A_126 = arith.addf %div3A_124, %add3A_125 : vector<10000x128xf32>
    %reduce_max3A = arith.constant dense<0xFF800000> : vector<128xf32>
    %reduce_max3A_127 = vector.multi_reduction <maximumf>, %add3A_126, %reduce_max3A [0] : vector<10000x128xf32> to vector<128xf32>
    %broadcast_in_dim3A_128 = vector.shape_cast %reduce_max3A_127 : vector<128xf32> to vector<1x128xf32>
    %get3A_129 = arith.constant 0 : index
    %get3A_130 = arith.constant 0 : index
    %get3A_131 = vector.load %arg13[%get3A_129, %get3A_130] : memref<128x256xf32, #tpu.memory_space<vmem>>, vector<128x256xf32>
    %dot_general3A_132 = arith.constant dense<0.000000e+00> : vector<1x256xf32>
    %dot_general3A_133 = tpu.matmul %broadcast_in_dim3A_128, %get3A_131, %dot_general3A_132 {dimension_numbers = #tpu.dot_dimension_numbers<[1], [0], [0], [1], [0, 0, 1, 1], [], []>, transpose_lhs_hint = false} : vector<1x128xf32>, vector<128x256xf32>, vector<1x256xf32> -> vector<1x256xf32>
    %get3A_134 = arith.constant 0 : index
    %get3A_135 = arith.constant 0 : index
    %get3A_136 = vector.load %arg14[%get3A_134, %get3A_135] : memref<1x256xf32, #tpu.memory_space<vmem>>, vector<1x256xf32>
    %add3A_137 = arith.addf %dot_general3A_133, %get3A_136 : vector<1x256xf32>
    %max3A_138 = arith.constant 0.000000e+00 : f32
    %max3A_139 = vector.broadcast %max3A_138 : f32 to vector<1x256xf32>
    %max3A_140 = arith.maximumf %add3A_137, %max3A_139 : vector<1x256xf32>
    %get3A_141 = arith.constant 0 : index
    %get3A_142 = arith.constant 0 : index
    %get3A_143 = vector.load %arg15[%get3A_141, %get3A_142] : memref<256x256xf32, #tpu.memory_space<vmem>>, vector<256x256xf32>
    %dot_general3A_144 = arith.constant dense<0.000000e+00> : vector<1x256xf32>
    %dot_general3A_145 = tpu.matmul %max3A_140, %get3A_143, %dot_general3A_144 {dimension_numbers = #tpu.dot_dimension_numbers<[1], [0], [0], [1], [0, 0, 1, 1], [], []>, transpose_lhs_hint = false} : vector<1x256xf32>, vector<256x256xf32>, vector<1x256xf32> -> vector<1x256xf32>
    %get3A_146 = arith.constant 0 : index
    %get3A_147 = arith.constant 0 : index
    %get3A_148 = vector.load %arg16[%get3A_146, %get3A_147] : memref<1x256xf32, #tpu.memory_space<vmem>>, vector<1x256xf32>
    %add3A_149 = arith.addf %dot_general3A_145, %get3A_148 : vector<1x256xf32>
    %max3A_150 = arith.constant 0.000000e+00 : f32
    %max3A_151 = vector.broadcast %max3A_150 : f32 to vector<1x256xf32>
    %max3A_152 = arith.maximumf %add3A_149, %max3A_151 : vector<1x256xf32>
    %get3A_153 = arith.constant 0 : index
    %get3A_154 = arith.constant 0 : index
    %get3A_155 = vector.load %arg17[%get3A_153, %get3A_154] : memref<256x4096xf32, #tpu.memory_space<vmem>>, vector<256x4096xf32>
    %dot_general3A_156 = arith.constant dense<0.000000e+00> : vector<1x4096xf32>
    %dot_general3A_157 = tpu.matmul %max3A_152, %get3A_155, %dot_general3A_156 {dimension_numbers = #tpu.dot_dimension_numbers<[1], [0], [0], [1], [0, 0, 1, 1], [], []>, transpose_lhs_hint = false} : vector<1x256xf32>, vector<256x4096xf32>, vector<1x4096xf32> -> vector<1x4096xf32>
    %get3A_158 = arith.constant 0 : index
    %get3A_159 = arith.constant 0 : index
    %get3A_160 = vector.load %arg18[%get3A_158, %get3A_159] : memref<1x4096xf32, #tpu.memory_space<vmem>>, vector<1x4096xf32>
    %add3A_161 = arith.addf %dot_general3A_157, %get3A_160 : vector<1x4096xf32>
    %swap3A = arith.constant 0 : index
    %swap3A_162 = arith.constant 0 : index
    %swap3A_163 = vector.load %arg19[%swap3A, %swap3A_162] : memref<1x4096xf32, #tpu.memory_space<vmem>>, vector<1x4096xf32>
    tpu.vector_store %arg19[%swap3A, %swap3A_162], %add3A_161 {strides = array<i32>} : memref<1x4096xf32, #tpu.memory_space<vmem>>, vector<1x4096xf32>,
    return
  }
}

</mosaic_0001>

<sc_bundles>
// kernel: sc_agg_f128.4.cloned.1.call-start
scs
__scs_entry_jumppad:
0x0: {  	(pc) =	sbr.rel $0x88, $3  }
0x1: {  	(tag) =	ssettag $0x0;
	lr =	simm.s32 $0x1  }
0x2: {  	[smem:$0x3F87] =	sst lr;
	_ =	strace $0xD0000000  }
0x3: {  	_ = 	snop  }
0x4: {  	_ = 	snop  }
0x5: {  	_ = 	snop  }
0x6: {  	_ = 	snop  }
0x7: {  	_ = 	snop  }
__scs_overlays_trampoline_lowered:
0x8: {  	[smem:$0x3F96] =	sst s0  }
0x9: {  	[smem:$0x3F97] =	sst s1  }
0xa: {  	[smem:$0x3F98] =	sst s2  }
0xb: {  	[smem:$0x3F99] =	sst s3  }
0xc: {  	[smem:$0x3F9A] =	sst s4  }
0xd: {  	[smem:$0x3F9B] =	sst s5  }
0xe: {  	[smem:$0x3F9C] =	sst s6  }
0xf: {  	[smem:$0x3F9D] =	sst s7  }
0x10: {  	[smem:$0x3F9E] =	sst s8  }
0x11: {  	[smem:$0x3F9F] =	sst s9;
	s0 =	simm.s32 @!p0 $0x0  }
0x12: {  	s1 =	sld [smem:$0x3F85];
	s0 =	simm.s32 @p0 $0x1  }
0x13: {  	[smem:$0x3FA0] =	sst s0;
	s0 =	simm.s32 @!p1 $0x0  }
0x14: {  	s2 =	sld [smem:$0x3F84];
	s0 =	simm.s32 @p1 $0x1  }
0x15: {  	[smem:$0x3FA1] =	sst s0;
	s0 =	simm.s32 @!p2 $0x0  }
0x16: {  	s3 =	sld [smem:$0x3FDB];
	s0 =	simm.s32 @p2 $0x1  }
0x17: {  	s4 =	simm.s32 $0x1BF5;
	[smem:$0x3FA3] =	sst s0  }
0x18: {  	s0 =	sld [smem:$0x3F86];
	_ =	swait.ge [sflag:s4], $0x0  }
0x19: {  	s7 =	sld [smem:$0x3F87]  }
0x1a: {  	s8 =	sadd.s32 $0xFFFFE003, lr  }
0x1b: {  	s9 =	sadd.s32 $0xFFFFFEF7, lr;
	s5 =	simm.s32 $0xFFFFFFFF;
	p2 =	slt.u32 s8, $0xFFFFF086  }
0x1c: {  	p1 =	slt.u32 s9, $0xF7A;
	s5 =	simm.s32 @!p2 $0x0  }
0x1d: {  	s5 =	simm.s32 @p1 $0x1;
	p0 =	seq.s32 s7, s2  }
0x1e: {  	s7 =	smul.u32 @!p0 $0xF7A, s2;
	p2 =	seq.s32 @!p0 s5, $0x0  }
0x1f: {  	s9 =	smul.u32 $0xF7A, s1;
	s8 =	simm.s32 @!p0 $0x1BF5;
	p2 =	por !p2, p0  }
0x20: {  	[sflag:s8] =	ssyncset.s32 @!p0 $0xFFFFF086;
	s6 =	sadd.s32 @!p0 s3, s7;
	s7 =	simm.s32 @!p0 $0x108  }
0x21: {  	s3 =	sadd.s32 s3, s9;
	s6 =	sadd.s32 @!p0 $0x88, s6;
	s7 =	simm.s32 @p2 $0x1082  }
0x22: {  	[simem:s7], [sflag:s8] =	dma.local @!p0 [hbm:s6], $0xF7A  }
0x23: {  	s9 =	sor.u32 $0xD0000000, s2;
	s6 =	simm.s32 $0x108;
	_ =	swait.ge @!p0 [sflag:s8], $0x0  }
0x24: {  	s3 =	sadd.s32 $0x88, s3;
	s6 =	simm.s32 @!p1 $0x1082;
	[sflag:s4] =	ssyncset.s32 $0xFFFFF086  }
0x25: {  	[simem:s6], [sflag:s4] =	dma.local [hbm:s3], $0xF7A  }
0x26: {  	[smem:$0x3F87] =	sst s1;
	(tag) =	ssettag s2;
	_ =	strace s9  }
0x27: {  	s1 =	sld [smem:$0x3F97]  }
0x28: {  	s2 =	sld [smem:$0x3F98]  }
0x29: {  	s4 =	sld [smem:$0x3F9A]  }
0x2a: {  	p0 =	seq.s32 s5, $0x0;
	s5 =	sld [smem:$0x3F9B]  }
0x2b: {  	s6 =	sld [smem:$0x3F9C]  }
0x2c: {  	s7 =	sld [smem:$0x3F9D]  }
0x2d: {  	s3 =	simm.s32 $0x108;
	s8 =	sld [smem:$0x3F9E]  }
0x2e: {  	s3 =	simm.s32 @!p0 $0x1082;
	s9 =	sld [smem:$0x3F9F]  }
0x2f: {  	lr =	sadd.s32 s0, s3;
	s0 =	sld [smem:$0x3F96]  }
0x30: {  	s3 =	sld [smem:$0x3F99]  }
0x31: {  	[smem:$0x3FA2] =	sst s10  }
0x32: {  	s10 =	sld [smem:$0x3FA0];
	_ =	sdelay $0x3  }
0x33: {  	p0 =	seq.s32 s10, $0x1;
	s10 =	sld [smem:$0x3FA2];
	_ =	sdelay $0x3  }
0x34: {  	[smem:$0x3FA2] =	sst s10  }
0x35: {  	s10 =	sld [smem:$0x3FA1];
	_ =	sdelay $0x3  }
0x36: {  	p1 =	seq.s32 s10, $0x1;
	s10 =	sld [smem:$0x3FA2];
	_ =	sdelay $0x3  }
0x37: {  	[smem:$0x3FA2] =	sst s10  }
0x38: {  	s10 =	sld [smem:$0x3FA3]  }
0x39: {  	_ = 	snop;
	(pc) =	sbr.ind lr, $3  }
0x3a: {  	_ = 	snop  }
0x3b: {  	_ = 	snop  }
0x3c: {  	p2 =	seq.s32 s10, $0x1;
	s10 =	sld [smem:$0x3FA2]  }
0x3d: {  	_ =	shalt  }
0x3e: {  	_ =	shalt  }
0x3f: {  	_ =	shalt  }
0x40: {  	_ =	shalt  }
0x41: {  	_ =	shalt  }
0x42: {  	_ =	shalt  }
0x43: {  	_ =	shalt  }
0x44: {  	_ =	shalt  }
0x45: {  	_ =	shalt  }
0x46: {  	_ =	shalt  }
0x47: {  	_ =	shalt  }
0x48: {  	_ =	shalt  }
0x49: {  	_ =	shalt  }
0x4a: {  	_ =	shalt  }
0x4b: {  	_ =	shalt  }
0x4c: {  	_ =	shalt  }
0x4d: {  	_ =	shalt  }
0x4e: {  	_ =	shalt  }
0x4f: {  	_ =	shalt  }
0x50: {  	_ =	shalt  }
0x51: {  	_ =	shalt  }
0x52: {  	_ =	shalt  }
0x53: {  	_ =	shalt  }
0x54: {  	_ =	shalt  }
0x55: {  	_ =	shalt  }
0x56: {  	_ =	shalt  }
0x57: {  	_ =	shalt  }
0x58: {  	_ =	shalt  }
0x59: {  	_ =	shalt  }
0x5a: {  	_ =	shalt  }
0x5b: {  	_ =	shalt  }
0x5c: {  	_ =	shalt  }
0x5d: {  	_ =	shalt  }
0x5e: {  	_ =	shalt  }
0x5f: {  	_ =	shalt  }
0x60: {  	_ =	shalt  }
0x61: {  	_ =	shalt  }
0x62: {  	_ =	shalt  }
0x63: {  	_ =	shalt  }
0x64: {  	_ =	shalt  }
0x65: {  	_ =	shalt  }
0x66: {  	_ =	shalt  }
0x67: {  	_ =	shalt  }
0x68: {  	_ =	shalt  }
0x69: {  	_ =	shalt  }
0x6a: {  	_ =	shalt  }
0x6b: {  	_ =	shalt  }
0x6c: {  	_ =	shalt  }
0x6d: {  	_ =	shalt  }
0x6e: {  	_ =	shalt  }
0x6f: {  	_ =	shalt  }
0x70: {  	_ =	shalt  }
0x71: {  	_ =	shalt  }
0x72: {  	_ =	shalt  }
0x73: {  	_ =	shalt  }
0x74: {  	_ =	shalt  }
0x75: {  	_ =	shalt  }
0x76: {  	_ =	shalt  }
0x77: {  	_ =	shalt  }
0x78: {  	_ =	shalt  }
0x79: {  	_ =	shalt  }
0x7a: {  	_ =	shalt  }
0x7b: {  	_ =	shalt  }
0x7c: {  	_ =	shalt  }
0x7d: {  	_ =	shalt  }
0x7e: {  	_ =	shalt  }
0x7f: {  	_ =	shalt  }
0x80: {  	_ =	shalt  }
0x81: {  	_ =	shalt  }
0x82: {  	_ =	shalt  }
0x83: {  	_ =	shalt  }
0x84: {  	_ =	shalt  }
0x85: {  	_ =	shalt  }
0x86: {  	_ =	shalt  }
0x87: {  	_ =	shalt  }
.Lfunc_end0:
.L_simem_size_0:
called_computation.3_lowered:
.L_overlay_start_0:
0x88: {  	s2 =	sld [smem:$0x3FD9]  }
0x89: {  	s3 =	sld [smem:$0x3FFE];
	_ =	sdelay $0x1  }
0x8a: {  	s1 =	srdreg.scid  }
0x8b: {  	s0 =	sand.u32 $0x1, s1  }
0x8c: {  	s17 =	sshll.u32 s0, $0xA;
	s2 =	sadd.s32 s3, s2  }
0x8d: {  	s2 =	sadd.s32 s2, s17  }
0x8e: {  	[smem:$0x3FAE] =	sst s2  }
0x8f: {  	_ = 	snop  }
0x90: {  	(tm) =	ssettm $0x1  }
0x91: {  	s18 =	sld [smem:$0x3FFB];
	_ =	sdelay $0x3  }
0x92: {  	_ =	strace s18  }
0x93: {  	s2 =	sld [smem:$0x3FFC];
	_ =	sdelay $0x3  }
0x94: {  	_ =	strace s2  }
0x95: {  	s2 =	sld [smem:$0x3FFD];
	_ =	sdelay $0x3  }
0x96: {  	_ =	strace s2  }
0x97: {  	_ =	strace $0x8FFFFFFF  }
0x98: {  	s19 =	sld [smem:$0x3FDB];
	_ =	sdelay $0x1  }
0x99: {  	s20 =	simm.s32 $_scs_section_size  }
0x9a: {  	s4 =	simm.s32 $_size__tile_overlayer_lowered;
	s5 =	simm.s32 $_tile_overlayer_lowered  }
0x9b: {  	s6 =	simm.s32 $0x1BFF;
	s21 =	sshll.u32 s5, $0x1;
	s3 =	sadd.s32 s20, s19  }
0x9c: {  	s22 =	simm.s32 $0x0;
	s4 =	sshll.u32 s4, $0x1;
	s5 =	sadd.s32 s21, s3  }
0x9d: {  	[timem:s22], [sflag:s6] =	dma.local [hbm:s5], s4  }
0x9e: {  	_ =	swait.ge [sflag:s6], s4  }
0x9f: {  	s4 =	ssub.s32 $0x0, s4;
	[sflag:s6] =	ssyncset.done $0x0  }
0xa0: {  	[sflag:s6] =	ssyncadd.s32 s4;
	_ =	sdelay $0x1  }
0xa1: {  	s23 =	simm.s32 $0x1B8B  }
0xa2: {  	_ =	swait.ge [sflag:s23], $0x1  }
0xa3: {  	[sflag:s23] =	ssyncset.done $0x0  }
0xa4: {  	[sflag:s23] =	ssyncadd.s32 $0xFFFFFFFF  }
0xa5: {  	s4 =	sld [smem:$0x0]  }
0xa6: {  	s5 =	sand.u32 $0xFFFFFFFE, s1  }
0xa7: {  	p0 =	sne.s32 s1, s5  }
0xa8: {  	s5 =	sshll.u32 @p0 s5, $0xE  }
0xa9: {  	s5 =	sadd.s32 @p0 $0x11B8D, s5;
	s6 =	sshll.u32 @p0 s4, $0x11  }
0xaa: {  	s5 =	sor.u32 @p0 s6, s5  }
0xab: {  	[sflag:s5] =	ssyncadd.remote.s32 @p0 $0x1;
	_ =	sdelay $0x1  }
0xac: {  	s5 =	simm.s32 @p0 $0x1B8D  }
0xad: {  	_ =	swait.eq @p0 [sflag:s5], $0x1  }
0xae: {  	[sflag:s5] =	ssyncadd.s32 @p0 $0xFFFFFFFF  }
0xaf: {  	s6 =	sshll.u32 @!p0 s1, $0xE  }
0xb0: {  	s6 =	sor.u32 @!p0 $0x4000, s6;
	s5 =	simm.s32 @!p0 $0x1B8D  }
0xb1: {  	s4 =	sshll.u32 @!p0 s4, $0x11;
	s6 =	sadd.s32 @!p0 $0x11B8D, s6;
	_ =	swait.eq @!p0 [sflag:s5], $0x1  }
0xb2: {  	s4 =	sor.u32 @!p0 s4, s6;
	[sflag:s5] =	ssyncadd.s32 @!p0 $0xFFFFFFFF  }
0xb3: {  	s25 =	simm.s32 $0x1B8E;
	s24 =	sld [smem:$0x3FFE];
	[sflag:s4] =	ssyncadd.remote.s32 @!p0 $0x1  }
0xb4: {  	s26 =	simm.s32 $execute0_lowered;
	[smem:$0x3FD2] =	sst s25  }
0xb5: {  	s5 =	sshll.u32 s26, $0x1;
	_ =	strace $0x80000052;
	[dreg:$0x1] =	wrdreg $0xFFFFFFFF  }
0xb6: {  	s28 =	simm.s32 $_size_execute0_lowered;
	s3 =	sadd.s32 s3, s5;
	[dreg:$0x0] =	wrdreg $0x0  }
0xb7: {  	s5 =	sshll.u32 s28, $0x1;
	[dreg:$0x2] =	wrdreg s3  }
0xb8: {  	[dreg:$0x3] =	wrdreg s5  }
0xb9: {  	[dreg:$0x4] =	wrdreg $0xC0  }
0xba: {  	_ =	task [dreg:s22], $0x5FFFF  }
0xbb: {  	[dreg:$0x1] =	wrdreg $0xFFFFFFFF  }
0xbc: {  	[dreg:$0x0] =	wrdreg $0x60  }
0xbd: {  	[dreg:$0x2] =	wrdreg s24  }
0xbe: {  	[dreg:$0x3] =	wrdreg $0x76200  }
0xbf: {  	[dreg:$0x4] =	wrdreg $0x9  }
0xc0: {  	_ =	task.clear_ibuf [dreg:s22], $0x5FFFF;
	_ =	strace $0x90000052  }
0xc1: {  	s29 =	simm.s32 $0x9;
	_ =	strace $0x80000054  }
0xc2: {  	_ =	swait.ge [sflag:s29], $0x1  }
0xc3: {  	[sflag:s29] =	ssyncadd.s32 $0xFFFFFFFF  }
0xc4: {  	_ =	strace $0x90000054  }
0xc5: {  	_ =	sfence  }
0xc6: {  	s30 =	sld [smem:$0x0];
	_ =	sdelay $0x2  }
0xc7: {  	s31 =	sshll.u32 s1, $0xD;
	s1 =	sshrl.u32 s1, $0x2  }
0xc8: {  	s4 =	sand.u32 $0x4000, s31;
	s1 =	sadd.s32 s1, s30  }
0xc9: {  	s0 =	sor.u32 s4, s0;
	s1 =	sshll.u32 s1, $0x11  }
0xca: {  	s0 =	sor.u32 s1, s0  }
0xcb: {  	s0 =	sadd.s32 $0x8F2B, s0  }
0xcc: {  	[sflag:s0] =	ssyncadd.remote.s32 $0x1  }
0xcd: {  	_ =	sfence.sel $0xFFFF  }
0xce: {  	[dreg:$0x0] =	wrdreg $0xFFFFFFFF;
	(pc) =	sbr.abs _section_cstart, $3  }
0xcf: {  	[dreg:$0x1] =	wrdreg $0xFFFFFFFF  }
0xd0: {  	_ =	task.clear_ibuf [dreg:s22], $0x2FFFF;
	_ =	strace $0x9FFFFFFF  }
0xd1: {  	(tm) =	ssettm $0x7FFFFFFF  }
tec
execute0_lowered:
.L_overlay_start_1:
0x0: {  	(tag) =	ssettag $0x1  }
0x1: {  	s6 =	rddreg [dreg:$0x0];
	s0 =	srdreg.scid  }
0x2: {  	s2 =	rddreg [dreg:$0x1];
	s1 =	stileid.u32  }
0x3: {  	s3 =	simm.s32 $0x0;
	s14 =	simm.s32 $0x50;
	s15 =	simm.s32 $0x4E20  }
0x4: {  	s16 =	simm.s32 $0x1;
	s5 =	sand.u32 $0x1, s0;
	s0 =	rddreg [dreg:$0x2]  }
0x5: {  	s17 =	simm.s32 $0x0;
	s8 =	smul.u32 $0x13C00, s1;
	[smem:$0x7FF] =	sst s3  }
0x6: {  	s12 =	sshll.u32 s1, $0x6;
	s4 =	sshll.u32 s5, $0x4;
	s7 =	smul.u32 $0x13C000, s5  }
0x7: {  	_ =	strace $0x80000053;
	s10 =	ssub.s32 $0x2, s5;
	s5 =	sadd.s32 $0x66600, s6  }
0x8: {  	s12 =	sor.u32 $0x1C02, s12;
	s4 =	sor.u32 s1, s4;
	s31 =	sshrl.u32 s10, $0x1  }
0x9: {  	s13 =	sadd.s32 s8, s2;
	s9 =	smul.u32 $0x4E2, s4;
	s7 =	sadd.s32 s8, s7  }
0xa: {  	s4 =	sadd.s32 $0x3F400, s6;
	s10 =	ssub.s32 s10, s31;
	s7 =	sshrl.u32 s7, $0x3  }
0xb: {  	s13 =	sshrl.u32 s13, $0x3;
	s9 =	sadd.s32 s9, s6;
	s11 =	sadd.s32 s7, s6  }
0xc: {  	s6 =	sadd.s32 $0xE400, s9;
	s7 =	sadd.s32 $0x4600, s9;
	s8 =	sadd.s32 $0xB7E00, s11  }
0xd: {  	s9 =	smax.u32 s10, $0x1;
	s10 =	simm.s32 $0x2;
	s11 =	simm.s32 $0x2710  }
.LBB2_1:
0xe: {  	[tilespmem:s3], [sflag:$0x2] =	stream.linear.gather [hbm4b:s6+s3], $0x2710, $0x38;
	[tilespmem:$0x1B220] =	vst v63  }
0xf: {  	_ =	swait.ge [sflag:s10], $0x2710  }
0x10: {  	[sflag:s10] =	ssyncset.done $0x0  }
0x11: {  	[sflag:s10] =	ssyncadd.s32 $0xFFFFD8F0  }
0x12: {  	[tilespmem:s11], [sflag:$0x2] =	stream.linear.gather [hbm4b:s7+s3], $0x2710, $0x38;
	[tilespmem:$0x1B220] =	vst v63  }
0x13: {  	_ =	swait.ge [sflag:s10], $0x2710  }
0x14: {  	[sflag:s10] =	ssyncset.done $0x0  }
0x15: {  	[sflag:s10] =	ssyncadd.s32 $0xFFFFD8F0  }
0x16: {  	[spmem:s13], [sflag:s12] =	dma.local [hbm:s5], $0x2780  }
0x17: {  	_ =	swait.ge [sflag:s10], $0x2780  }
0x18: {  	[sflag:s10] =	ssyncset.done $0x0  }
0x19: {  	[sflag:s10] =	ssyncadd.s32 $0xFFFFD880  }
0x1a: {  	s18 =	simm.s32 $0x0;
	[bflag:$0x0] =	sbarrier.arrive $0xFFFF  }
0x1b: {  	[tilespmem:s15], [sflag:$0x1] =	stream.indirect.gather [hbm4b:s4+s14], $0x80, s18, s14, $0xb8;
	[tilespmem:$0x1B220] =	vst v63  }
0x1c: {  	_ =	swait.ge [sflag:s16], $0x2800  }
0x1d: {  	[sflag:s16] =	ssyncset.done $0x0  }
0x1e: {  	s31 =	simm.s32 $0x2710;
	[sflag:s16] =	ssyncadd.s32 $0xFFFFD800  }
0x1f: {  	[spmem:s2] =	stream.indirect.scatter.add.f32 [tilespmem:s15], [sflag:$0x2], $0x80, s31, s14, $0xb8;
	[tilespmem:$0x1B220] =	vst v63  }
0x20: {  	_ =	swait.ge [sflag:s10], $0x2800  }
0x21: {  	s19 =	simm.s32 $0x280;
	s18 =	simm.s32 $0x140;
	[sflag:s10] =	ssyncset.done $0x0  }
.LBB2_2:
0x22: {  	s20 =	sshra.s32 s18, $0x2  }
0x23: {  	[sflag:s10] =	ssyncadd.s32 $0xFFFFD800;
	s18 =	smov.u32 s19;
	s21 =	sadd.s32 $0x140, s19  }
0x24: {  	[tilespmem:s15], [sflag:$0x1] =	stream.indirect.gather [hbm4b:s4+s14], $0x80, s20, s14, $0xb8;
	[tilespmem:$0x1B220] =	vst v63  }
0x25: {  	p0 =	sne.s32 s19, $0x9B00;
	_ =	swait.ge [sflag:s16], $0x2800  }
.Ltmp0:
0x26: {  	[sflag:s16] =	ssyncset.done $0x0;
	(pc) =	sbr.rel @p0 .LBB2_2-.Ltmp0, $4  }
0x27: {  	s19 =	sadd.s32 $0x2710, s20;
	[sflag:s16] =	ssyncadd.s32 $0xFFFFD800  }
0x28: {  	[spmem:s2] =	stream.indirect.scatter.add.f32 [tilespmem:s15], [sflag:$0x2], $0x80, s19, s14, $0xb8;
	[tilespmem:$0x1B220] =	vst v63  }
0x29: {  	_ =	swait.ge [sflag:s10], $0x2800  }
0x2a: {  	s19 =	smov.u32 s21;
	[sflag:s10] =	ssyncset.done $0x0  }
0x2b: {  	s18 =	sshra.s32 s18, $0x2;
	[sflag:s10] =	ssyncadd.s32 $0xFFFFD800  }
0x2c: {  	[tilespmem:s15], [sflag:$0x1] =	stream.indirect.gather [hbm4b:s4+s14], $0x80, s18, s14, $0xb8;
	[tilespmem:$0x1B220] =	vst v63  }
0x2d: {  	_ =	swait.ge [sflag:s16], $0x2800  }
0x2e: {  	[sflag:s16] =	ssyncset.done $0x0  }
0x2f: {  	s18 =	sadd.s32 $0x2710, s18;
	[sflag:s16] =	ssyncadd.s32 $0xFFFFD800  }
0x30: {  	[spmem:s2] =	stream.indirect.scatter.add.f32 [tilespmem:s15], [sflag:$0x2], $0x80, s18, s14, $0xb8;
	[tilespmem:$0x1B220] =	vst v63  }
0x31: {  	_ =	swait.ge [sflag:s10], $0x2800  }
0x32: {  	s17 =	sadd.s32 $0x1, s17;
	[sflag:s10] =	ssyncset.done $0x0  }
0x33: {  	p0 =	sne.s32 s17, s9;
	[sflag:s10] =	ssyncadd.s32 $0xFFFFD800  }
.Ltmp1:
0x34: {  	[bflag:$0x0] =	sbarrier.arrive $0xFFFF;
	(pc) =	sbr.rel @p0 .LBB2_1-.Ltmp1, $4  }
0x35: {  	[hbm:s8], [sflag:s12] =	dma.local [spmem:s13], $0x2780  }
0x36: {  	_ =	swait.ge [sflag:s10], $0x2780  }
0x37: {  	[sflag:s10] =	ssyncset.done $0x0  }
0x38: {  	[sflag:s10] =	ssyncadd.s32 $0xFFFFD880  }
0x39: {  	_ =	sfence.sel $0x180000  }
0x3a: {  	[bflag:$0x0] =	sbarrier.arrive $0xFFFF  }
0x3b: {  	p0 =	sne.s32 s1, $0x0;
	_ =	strace $0x90000053  }
0x3c: {  	s0 =	sadd.s32 @!p0 $0x100000, s0;
	[bflag:$0x2] =	sbarrier.arrive $0xFFFF  }
0x3d: {  	[sflag:s0] =	ssyncadd.tile.s32 @!p0 $0x1;
	_ =	shalt  }
.Lfunc_end2:
_tile_overlayer_lowered:
.L_overlay_start_2:
0x3e: {  	(tag) =	ssettag $0x2  }
0x3f: {  	s0 =	rddreg [dreg:$0x0];
	s2 =	stileid.u32  }
0x40: {  	s1 =	rddreg [dreg:$0x1];
	p0 =	sne.s32 s2, $0x0  }
0x41: {  	s3 =	rddreg [dreg:$0x2];
	[bflag:$0x3] =	sbarrier.arrive $0xFFFF;
	s2 =	simm.s32 @!p0 $0x1C02  }
0x42: {  	[timem:s3], [sflag:s2] =	dma.local @!p0 [hbm:s0], s1  }
0x43: {  	s0 =	simm.s32 @!p0 $0x2  }
0x44: {  	_ =	swait.ge @!p0 [sflag:s0], s1  }
0x45: {  	s1 =	ssub.s32 @!p0 $0x0, s1;
	[sflag:s0] =	ssyncset.done @!p0 $0x0  }
0x46: {  	[sflag:s0] =	ssyncadd.s32 @!p0 s1  }
0x47: {  	[bflag:$0x3] =	sbarrier.arrive $0xFFFF  }
0x48: {  	_ =	shalt  }

// kernel: sc_agg_f128.7.cloned.1.call-start
scs
__scs_entry_jumppad:
0x0: {  	(pc) =	sbr.rel $0x88, $3  }
0x1: {  	(tag) =	ssettag $0x0;
	lr =	simm.s32 $0x1  }
0x2: {  	[smem:$0x3F87] =	sst lr;
	_ =	strace $0xD0000000  }
0x3: {  	_ = 	snop  }
0x4: {  	_ = 	snop  }
0x5: {  	_ = 	snop  }
0x6: {  	_ = 	snop  }
0x7: {  	_ = 	snop  }
__scs_overlays_trampoline_lowered:
0x8: {  	[smem:$0x3F96] =	sst s0  }
0x9: {  	[smem:$0x3F97] =	sst s1  }
0xa: {  	[smem:$0x3F98] =	sst s2  }
0xb: {  	[smem:$0x3F99] =	sst s3  }
0xc: {  	[smem:$0x3F9A] =	sst s4  }
0xd: {  	[smem:$0x3F9B] =	sst s5  }
0xe: {  	[smem:$0x3F9C] =	sst s6  }
0xf: {  	[smem:$0x3F9D] =	sst s7  }
0x10: {  	[smem:$0x3F9E] =	sst s8  }
0x11: {  	[smem:$0x3F9F] =	sst s9;
	s0 =	simm.s32 @!p0 $0x0  }
0x12: {  	s1 =	sld [smem:$0x3F85];
	s0 =	simm.s32 @p0 $0x1  }
0x13: {  	[smem:$0x3FA0] =	sst s0;
	s0 =	simm.s32 @!p1 $0x0  }
0x14: {  	s2 =	sld [smem:$0x3F84];
	s0 =	simm.s32 @p1 $0x1  }
0x15: {  	[smem:$0x3FA1] =	sst s0;
	s0 =	simm.s32 @!p2 $0x0  }
0x16: {  	s3 =	sld [smem:$0x3FDB];
	s0 =	simm.s32 @p2 $0x1  }
0x17: {  	s4 =	simm.s32 $0x1BF5;
	[smem:$0x3FA3] =	sst s0  }
0x18: {  	s0 =	sld [smem:$0x3F86];
	_ =	swait.ge [sflag:s4], $0x0  }
0x19: {  	s7 =	sld [smem:$0x3F87]  }
0x1a: {  	s8 =	sadd.s32 $0xFFFFE003, lr  }
0x1b: {  	s9 =	sadd.s32 $0xFFFFFEF7, lr;
	s5 =	simm.s32 $0xFFFFFFFF;
	p2 =	slt.u32 s8, $0xFFFFF086  }
0x1c: {  	p1 =	slt.u32 s9, $0xF7A;
	s5 =	simm.s32 @!p2 $0x0  }
0x1d: {  	s5 =	simm.s32 @p1 $0x1;
	p0 =	seq.s32 s7, s2  }
0x1e: {  	s7 =	smul.u32 @!p0 $0xF7A, s2;
	p2 =	seq.s32 @!p0 s5, $0x0  }
0x1f: {  	s9 =	smul.u32 $0xF7A, s1;
	s8 =	simm.s32 @!p0 $0x1BF5;
	p2 =	por !p2, p0  }
0x20: {  	[sflag:s8] =	ssyncset.s32 @!p0 $0xFFFFF086;
	s6 =	sadd.s32 @!p0 s3, s7;
	s7 =	simm.s32 @!p0 $0x108  }
0x21: {  	s3 =	sadd.s32 s3, s9;
	s6 =	sadd.s32 @!p0 $0x88, s6;
	s7 =	simm.s32 @p2 $0x1082  }
0x22: {  	[simem:s7], [sflag:s8] =	dma.local @!p0 [hbm:s6], $0xF7A  }
0x23: {  	s9 =	sor.u32 $0xD0000000, s2;
	s6 =	simm.s32 $0x108;
	_ =	swait.ge @!p0 [sflag:s8], $0x0  }
0x24: {  	s3 =	sadd.s32 $0x88, s3;
	s6 =	simm.s32 @!p1 $0x1082;
	[sflag:s4] =	ssyncset.s32 $0xFFFFF086  }
0x25: {  	[simem:s6], [sflag:s4] =	dma.local [hbm:s3], $0xF7A  }
0x26: {  	[smem:$0x3F87] =	sst s1;
	(tag) =	ssettag s2;
	_ =	strace s9  }
0x27: {  	s1 =	sld [smem:$0x3F97]  }
0x28: {  	s2 =	sld [smem:$0x3F98]  }
0x29: {  	s4 =	sld [smem:$0x3F9A]  }
0x2a: {  	p0 =	seq.s32 s5, $0x0;
	s5 =	sld [smem:$0x3F9B]  }
0x2b: {  	s6 =	sld [smem:$0x3F9C]  }
0x2c: {  	s7 =	sld [smem:$0x3F9D]  }
0x2d: {  	s3 =	simm.s32 $0x108;
	s8 =	sld [smem:$0x3F9E]  }
0x2e: {  	s3 =	simm.s32 @!p0 $0x1082;
	s9 =	sld [smem:$0x3F9F]  }
0x2f: {  	lr =	sadd.s32 s0, s3;
	s0 =	sld [smem:$0x3F96]  }
0x30: {  	s3 =	sld [smem:$0x3F99]  }
0x31: {  	[smem:$0x3FA2] =	sst s10  }
0x32: {  	s10 =	sld [smem:$0x3FA0];
	_ =	sdelay $0x3  }
0x33: {  	p0 =	seq.s32 s10, $0x1;
	s10 =	sld [smem:$0x3FA2];
	_ =	sdelay $0x3  }
0x34: {  	[smem:$0x3FA2] =	sst s10  }
0x35: {  	s10 =	sld [smem:$0x3FA1];
	_ =	sdelay $0x3  }
0x36: {  	p1 =	seq.s32 s10, $0x1;
	s10 =	sld [smem:$0x3FA2];
	_ =	sdelay $0x3  }
0x37: {  	[smem:$0x3FA2] =	sst s10  }
0x38: {  	s10 =	sld [smem:$0x3FA3]  }
0x39: {  	_ = 	snop;
	(pc) =	sbr.ind lr, $3  }
0x3a: {  	_ = 	snop  }
0x3b: {  	_ = 	snop  }
0x3c: {  	p2 =	seq.s32 s10, $0x1;
	s10 =	sld [smem:$0x3FA2]  }
0x3d: {  	_ =	shalt  }
0x3e: {  	_ =	shalt  }
0x3f: {  	_ =	shalt  }
0x40: {  	_ =	shalt  }
0x41: {  	_ =	shalt  }
0x42: {  	_ =	shalt  }
0x43: {  	_ =	shalt  }
0x44: {  	_ =	shalt  }
0x45: {  	_ =	shalt  }
0x46: {  	_ =	shalt  }
0x47: {  	_ =	shalt  }
0x48: {  	_ =	shalt  }
0x49: {  	_ =	shalt  }
0x4a: {  	_ =	shalt  }
0x4b: {  	_ =	shalt  }
0x4c: {  	_ =	shalt  }
0x4d: {  	_ =	shalt  }
0x4e: {  	_ =	shalt  }
0x4f: {  	_ =	shalt  }
0x50: {  	_ =	shalt  }
0x51: {  	_ =	shalt  }
0x52: {  	_ =	shalt  }
0x53: {  	_ =	shalt  }
0x54: {  	_ =	shalt  }
0x55: {  	_ =	shalt  }
0x56: {  	_ =	shalt  }
0x57: {  	_ =	shalt  }
0x58: {  	_ =	shalt  }
0x59: {  	_ =	shalt  }
0x5a: {  	_ =	shalt  }
0x5b: {  	_ =	shalt  }
0x5c: {  	_ =	shalt  }
0x5d: {  	_ =	shalt  }
0x5e: {  	_ =	shalt  }
0x5f: {  	_ =	shalt  }
0x60: {  	_ =	shalt  }
0x61: {  	_ =	shalt  }
0x62: {  	_ =	shalt  }
0x63: {  	_ =	shalt  }
0x64: {  	_ =	shalt  }
0x65: {  	_ =	shalt  }
0x66: {  	_ =	shalt  }
0x67: {  	_ =	shalt  }
0x68: {  	_ =	shalt  }
0x69: {  	_ =	shalt  }
0x6a: {  	_ =	shalt  }
0x6b: {  	_ =	shalt  }
0x6c: {  	_ =	shalt  }
0x6d: {  	_ =	shalt  }
0x6e: {  	_ =	shalt  }
0x6f: {  	_ =	shalt  }
0x70: {  	_ =	shalt  }
0x71: {  	_ =	shalt  }
0x72: {  	_ =	shalt  }
0x73: {  	_ =	shalt  }
0x74: {  	_ =	shalt  }
0x75: {  	_ =	shalt  }
0x76: {  	_ =	shalt  }
0x77: {  	_ =	shalt  }
0x78: {  	_ =	shalt  }
0x79: {  	_ =	shalt  }
0x7a: {  	_ =	shalt  }
0x7b: {  	_ =	shalt  }
0x7c: {  	_ =	shalt  }
0x7d: {  	_ =	shalt  }
0x7e: {  	_ =	shalt  }
0x7f: {  	_ =	shalt  }
0x80: {  	_ =	shalt  }
0x81: {  	_ =	shalt  }
0x82: {  	_ =	shalt  }
0x83: {  	_ =	shalt  }
0x84: {  	_ =	shalt  }
0x85: {  	_ =	shalt  }
0x86: {  	_ =	shalt  }
0x87: {  	_ =	shalt  }
.Lfunc_end0:
.L_simem_size_0:
called_computation.4_lowered:
.L_overlay_start_0:
0x88: {  	s2 =	sld [smem:$0x3FD9]  }
0x89: {  	s3 =	sld [smem:$0x3FFE];
	_ =	sdelay $0x1  }
0x8a: {  	s1 =	srdreg.scid  }
0x8b: {  	s0 =	sand.u32 $0x1, s1  }
0x8c: {  	s16 =	sshll.u32 s0, $0xA;
	s2 =	sadd.s32 s3, s2  }
0x8d: {  	s2 =	sadd.s32 s2, s16  }
0x8e: {  	[smem:$0x3FAE] =	sst s2  }
0x8f: {  	_ = 	snop  }
0x90: {  	(tm) =	ssettm $0x1  }
0x91: {  	s17 =	sld [smem:$0x3FFB];
	_ =	sdelay $0x3  }
0x92: {  	_ =	strace s17  }
0x93: {  	s2 =	sld [smem:$0x3FFC];
	_ =	sdelay $0x3  }
0x94: {  	_ =	strace s2  }
0x95: {  	s2 =	sld [smem:$0x3FFD];
	_ =	sdelay $0x3  }
0x96: {  	_ =	strace s2  }
0x97: {  	_ =	strace $0x8FFFFFFF  }
0x98: {  	s18 =	sld [smem:$0x3FDB];
	_ =	sdelay $0x1  }
0x99: {  	s19 =	simm.s32 $_scs_section_size  }
0x9a: {  	s4 =	simm.s32 $_size__tile_overlayer_lowered;
	s5 =	simm.s32 $_tile_overlayer_lowered  }
0x9b: {  	s22 =	simm.s32 $0x1BFF;
	s21 =	sshll.u32 s5, $0x1;
	s2 =	sadd.s32 s19, s18  }
0x9c: {  	s6 =	simm.s32 $0x0;
	s20 =	sshll.u32 s4, $0x1;
	s4 =	sadd.s32 s21, s2  }
0x9d: {  	[timem:s6], [sflag:s22] =	dma.local [hbm:s4], s20  }
0x9e: {  	_ =	swait.ge [sflag:s22], s20  }
0x9f: {  	s3 =	ssub.s32 $0x0, s20;
	[sflag:s22] =	ssyncset.done $0x0  }
0xa0: {  	[sflag:s22] =	ssyncadd.s32 s3;
	_ =	sdelay $0x1  }
0xa1: {  	s23 =	simm.s32 $0x1B8B  }
0xa2: {  	_ =	swait.ge [sflag:s23], $0x1  }
0xa3: {  	[sflag:s23] =	ssyncset.done $0x0  }
0xa4: {  	s25 =	simm.s32 $0x1B8E;
	s24 =	sld [smem:$0x3FFE];
	[sflag:s23] =	ssyncadd.s32 $0xFFFFFFFF  }
0xa5: {  	s26 =	simm.s32 $execute0_lowered;
	[smem:$0x3FD2] =	sst s25  }
0xa6: {  	s4 =	sshll.u32 s26, $0x1;
	_ =	strace $0x8000004F;
	[dreg:$0x1] =	wrdreg $0xFFFFFFFF  }
0xa7: {  	s28 =	simm.s32 $_size_execute0_lowered;
	s2 =	sadd.s32 s2, s4;
	[dreg:$0x0] =	wrdreg $0x0  }
0xa8: {  	s4 =	sshll.u32 s28, $0x1;
	[dreg:$0x2] =	wrdreg s2  }
0xa9: {  	[dreg:$0x3] =	wrdreg s4  }
0xaa: {  	[dreg:$0x4] =	wrdreg $0xC0  }
0xab: {  	_ =	task [dreg:s6], $0x5FFFF  }
0xac: {  	[dreg:$0x1] =	wrdreg $0xFFFFFFFF  }
0xad: {  	[dreg:$0x0] =	wrdreg $0x60  }
0xae: {  	[dreg:$0x2] =	wrdreg s24  }
0xaf: {  	[dreg:$0x3] =	wrdreg $0x76200  }
0xb0: {  	[dreg:$0x4] =	wrdreg $0xA  }
0xb1: {  	_ =	task.clear_ibuf [dreg:s6], $0x5FFFF;
	_ =	strace $0x9000004F  }
0xb2: {  	s29 =	simm.s32 $0xA;
	_ =	strace $0x80000051  }
0xb3: {  	_ =	swait.ge [sflag:s29], $0x1  }
0xb4: {  	[sflag:s29] =	ssyncadd.s32 $0xFFFFFFFF  }
0xb5: {  	_ =	strace $0x90000051  }
0xb6: {  	_ =	sfence  }
0xb7: {  	s30 =	sld [smem:$0x0];
	_ =	sdelay $0x2  }
0xb8: {  	s31 =	sshll.u32 s1, $0xD;
	s1 =	sshrl.u32 s1, $0x2  }
0xb9: {  	s3 =	sand.u32 $0x4000, s31;
	s1 =	sadd.s32 s1, s30  }
0xba: {  	s0 =	sor.u32 s3, s0;
	s1 =	sshll.u32 s1, $0x11  }
0xbb: {  	s0 =	sor.u32 s1, s0  }
0xbc: {  	s0 =	sadd.s32 $0x8F2B, s0  }
0xbd: {  	[sflag:s0] =	ssyncadd.remote.s32 $0x1  }
0xbe: {  	_ =	sfence.sel $0xFFFF  }
0xbf: {  	[dreg:$0x0] =	wrdreg $0xFFFFFFFF;
	(pc) =	sbr.abs _section_cstart, $3  }
0xc0: {  	[dreg:$0x1] =	wrdreg $0xFFFFFFFF  }
0xc1: {  	_ =	task.clear_ibuf [dreg:s6], $0x2FFFF;
	_ =	strace $0x9FFFFFFF  }
0xc2: {  	(tm) =	ssettm $0x7FFFFFFF  }
0xc3: {  	_ =	shalt  }
tec
execute0_lowered:
.L_overlay_start_1:
0x0: {  	(tag) =	ssettag $0x1  }
0x1: {  	s6 =	rddreg [dreg:$0x0];
	s0 =	srdreg.scid  }
0x2: {  	s2 =	rddreg [dreg:$0x1];
	s1 =	stileid.u32  }
0x3: {  	s3 =	simm.s32 $0x0;
	s14 =	simm.s32 $0x50;
	s15 =	simm.s32 $0x4E20  }
0x4: {  	s16 =	simm.s32 $0x1;
	s5 =	sand.u32 $0x1, s0;
	s0 =	rddreg [dreg:$0x2]  }
0x5: {  	s17 =	simm.s32 $0x0;
	s8 =	smul.u32 $0x13C00, s1;
	[smem:$0x7FF] =	sst s3  }
0x6: {  	s12 =	sshll.u32 s1, $0x6;
	s4 =	sshll.u32 s5, $0x4;
	s7 =	smul.u32 $0x13C000, s5  }
0x7: {  	_ =	strace $0x80000050;
	s10 =	ssub.s32 $0x2, s5;
	s5 =	sadd.s32 $0x66600, s6  }
0x8: {  	s12 =	sor.u32 $0x1C02, s12;
	s4 =	sor.u32 s1, s4;
	s31 =	sshrl.u32 s10, $0x1  }
0x9: {  	s13 =	sadd.s32 s8, s2;
	s9 =	smul.u32 $0x4E2, s4;
	s7 =	sadd.s32 s8, s7  }
0xa: {  	s4 =	sadd.s32 $0x18200, s6;
	s10 =	ssub.s32 s10, s31;
	s7 =	sshrl.u32 s7, $0x3  }
0xb: {  	s13 =	sshrl.u32 s13, $0x3;
	s9 =	sadd.s32 s9, s6;
	s11 =	sadd.s32 s7, s6  }
0xc: {  	s6 =	sadd.s32 $0xE400, s9;
	s7 =	sadd.s32 $0x4600, s9;
	s8 =	sadd.s32 $0x68E00, s11  }
0xd: {  	s9 =	smax.u32 s10, $0x1;
	s10 =	simm.s32 $0x2;
	s11 =	simm.s32 $0x2710  }
.LBB2_1:
0xe: {  	[tilespmem:s3], [sflag:$0x2] =	stream.linear.gather [hbm4b:s6+s3], $0x2710, $0x38;
	[tilespmem:$0x1B220] =	vst v63  }
0xf: {  	_ =	swait.ge [sflag:s10], $0x2710  }
0x10: {  	[sflag:s10] =	ssyncset.done $0x0  }
0x11: {  	[sflag:s10] =	ssyncadd.s32 $0xFFFFD8F0  }
0x12: {  	[tilespmem:s11], [sflag:$0x2] =	stream.linear.gather [hbm4b:s7+s3], $0x2710, $0x38;
	[tilespmem:$0x1B220] =	vst v63  }
0x13: {  	_ =	swait.ge [sflag:s10], $0x2710  }
0x14: {  	[sflag:s10] =	ssyncset.done $0x0  }
0x15: {  	[sflag:s10] =	ssyncadd.s32 $0xFFFFD8F0  }
0x16: {  	[spmem:s13], [sflag:s12] =	dma.local [hbm:s5], $0x2780  }
0x17: {  	_ =	swait.ge [sflag:s10], $0x2780  }
0x18: {  	[sflag:s10] =	ssyncset.done $0x0  }
0x19: {  	[sflag:s10] =	ssyncadd.s32 $0xFFFFD880  }
0x1a: {  	s18 =	simm.s32 $0x0;
	[bflag:$0x0] =	sbarrier.arrive $0xFFFF  }
0x1b: {  	[tilespmem:s15], [sflag:$0x1] =	stream.indirect.gather [hbm4b:s4+s14], $0x80, s18, s14, $0xb8;
	[tilespmem:$0x1B220] =	vst v63  }
0x1c: {  	_ =	swait.ge [sflag:s16], $0x2800  }
0x1d: {  	[sflag:s16] =	ssyncset.done $0x0  }
0x1e: {  	s31 =	simm.s32 $0x2710;
	[sflag:s16] =	ssyncadd.s32 $0xFFFFD800  }
0x1f: {  	[spmem:s2] =	stream.indirect.scatter.add.f32 [tilespmem:s15], [sflag:$0x2], $0x80, s31, s14, $0xb8;
	[tilespmem:$0x1B220] =	vst v63  }
0x20: {  	_ =	swait.ge [sflag:s10], $0x2800  }
0x21: {  	s19 =	simm.s32 $0x280;
	s18 =	simm.s32 $0x140;
	[sflag:s10] =	ssyncset.done $0x0  }
.LBB2_2:
0x22: {  	s20 =	sshra.s32 s18, $0x2  }
0x23: {  	[sflag:s10] =	ssyncadd.s32 $0xFFFFD800;
	s18 =	smov.u32 s19;
	s21 =	sadd.s32 $0x140, s19  }
0x24: {  	[tilespmem:s15], [sflag:$0x1] =	stream.indirect.gather [hbm4b:s4+s14], $0x80, s20, s14, $0xb8;
	[tilespmem:$0x1B220] =	vst v63  }
0x25: {  	p0 =	sne.s32 s19, $0x9B00;
	_ =	swait.ge [sflag:s16], $0x2800  }
.Ltmp0:
0x26: {  	[sflag:s16] =	ssyncset.done $0x0;
	(pc) =	sbr.rel @p0 .LBB2_2-.Ltmp0, $4  }
0x27: {  	s19 =	sadd.s32 $0x2710, s20;
	[sflag:s16] =	ssyncadd.s32 $0xFFFFD800  }
0x28: {  	[spmem:s2] =	stream.indirect.scatter.add.f32 [tilespmem:s15], [sflag:$0x2], $0x80, s19, s14, $0xb8;
	[tilespmem:$0x1B220] =	vst v63  }
0x29: {  	_ =	swait.ge [sflag:s10], $0x2800  }
0x2a: {  	s19 =	smov.u32 s21;
	[sflag:s10] =	ssyncset.done $0x0  }
0x2b: {  	s18 =	sshra.s32 s18, $0x2;
	[sflag:s10] =	ssyncadd.s32 $0xFFFFD800  }
0x2c: {  	[tilespmem:s15], [sflag:$0x1] =	stream.indirect.gather [hbm4b:s4+s14], $0x80, s18, s14, $0xb8;
	[tilespmem:$0x1B220] =	vst v63  }
0x2d: {  	_ =	swait.ge [sflag:s16], $0x2800  }
0x2e: {  	[sflag:s16] =	ssyncset.done $0x0  }
0x2f: {  	s18 =	sadd.s32 $0x2710, s18;
	[sflag:s16] =	ssyncadd.s32 $0xFFFFD800  }
0x30: {  	[spmem:s2] =	stream.indirect.scatter.add.f32 [tilespmem:s15], [sflag:$0x2], $0x80, s18, s14, $0xb8;
	[tilespmem:$0x1B220] =	vst v63  }
0x31: {  	_ =	swait.ge [sflag:s10], $0x2800  }
0x32: {  	s17 =	sadd.s32 $0x1, s17;
	[sflag:s10] =	ssyncset.done $0x0  }
0x33: {  	p0 =	sne.s32 s17, s9;
	[sflag:s10] =	ssyncadd.s32 $0xFFFFD800  }
.Ltmp1:
0x34: {  	[bflag:$0x0] =	sbarrier.arrive $0xFFFF;
	(pc) =	sbr.rel @p0 .LBB2_1-.Ltmp1, $4  }
0x35: {  	[hbm:s8], [sflag:s12] =	dma.local [spmem:s13], $0x2780  }
0x36: {  	_ =	swait.ge [sflag:s10], $0x2780  }
0x37: {  	[sflag:s10] =	ssyncset.done $0x0  }
0x38: {  	[sflag:s10] =	ssyncadd.s32 $0xFFFFD880  }
0x39: {  	_ =	sfence.sel $0x180000  }
0x3a: {  	[bflag:$0x0] =	sbarrier.arrive $0xFFFF  }
0x3b: {  	p0 =	sne.s32 s1, $0x0;
	_ =	strace $0x90000050  }
0x3c: {  	s0 =	sadd.s32 @!p0 $0x100000, s0;
	[bflag:$0x2] =	sbarrier.arrive $0xFFFF  }
0x3d: {  	[sflag:s0] =	ssyncadd.tile.s32 @!p0 $0x1;
	_ =	shalt  }
.Lfunc_end2:
_tile_overlayer_lowered:
.L_overlay_start_2:
0x3e: {  	(tag) =	ssettag $0x2  }
0x3f: {  	s0 =	rddreg [dreg:$0x0];
	s2 =	stileid.u32  }
0x40: {  	s1 =	rddreg [dreg:$0x1];
	p0 =	sne.s32 s2, $0x0  }
0x41: {  	s3 =	rddreg [dreg:$0x2];
	[bflag:$0x3] =	sbarrier.arrive $0xFFFF;
	s2 =	simm.s32 @!p0 $0x1C02  }
0x42: {  	[timem:s3], [sflag:s2] =	dma.local @!p0 [hbm:s0], s1  }
0x43: {  	s0 =	simm.s32 @!p0 $0x2  }
0x44: {  	_ =	swait.ge @!p0 [sflag:s0], s1  }
0x45: {  	s1 =	ssub.s32 @!p0 $0x0, s1;
	[sflag:s0] =	ssyncset.done @!p0 $0x0  }
0x46: {  	[sflag:s0] =	ssyncadd.s32 @!p0 s1  }
0x47: {  	[bflag:$0x3] =	sbarrier.arrive $0xFFFF  }
0x48: {  	_ =	shalt  }

// kernel: sc_agg_f64.3.cloned.1.call-start
scs
__scs_entry_jumppad:
0x0: {  	(pc) =	sbr.rel $0x88, $3  }
0x1: {  	(tag) =	ssettag $0x0;
	lr =	simm.s32 $0x1  }
0x2: {  	[smem:$0x3F87] =	sst lr;
	_ =	strace $0xD0000000  }
0x3: {  	_ = 	snop  }
0x4: {  	_ = 	snop  }
0x5: {  	_ = 	snop  }
0x6: {  	_ = 	snop  }
0x7: {  	_ = 	snop  }
__scs_overlays_trampoline_lowered:
0x8: {  	[smem:$0x3F96] =	sst s0  }
0x9: {  	[smem:$0x3F97] =	sst s1  }
0xa: {  	[smem:$0x3F98] =	sst s2  }
0xb: {  	[smem:$0x3F99] =	sst s3  }
0xc: {  	[smem:$0x3F9A] =	sst s4  }
0xd: {  	[smem:$0x3F9B] =	sst s5  }
0xe: {  	[smem:$0x3F9C] =	sst s6  }
0xf: {  	[smem:$0x3F9D] =	sst s7  }
0x10: {  	[smem:$0x3F9E] =	sst s8  }
0x11: {  	[smem:$0x3F9F] =	sst s9;
	s0 =	simm.s32 @!p0 $0x0  }
0x12: {  	s1 =	sld [smem:$0x3F85];
	s0 =	simm.s32 @p0 $0x1  }
0x13: {  	[smem:$0x3FA0] =	sst s0;
	s0 =	simm.s32 @!p1 $0x0  }
0x14: {  	s2 =	sld [smem:$0x3F84];
	s0 =	simm.s32 @p1 $0x1  }
0x15: {  	[smem:$0x3FA1] =	sst s0;
	s0 =	simm.s32 @!p2 $0x0  }
0x16: {  	s3 =	sld [smem:$0x3FDB];
	s0 =	simm.s32 @p2 $0x1  }
0x17: {  	s4 =	simm.s32 $0x1BF5;
	[smem:$0x3FA3] =	sst s0  }
0x18: {  	s0 =	sld [smem:$0x3F86];
	_ =	swait.ge [sflag:s4], $0x0  }
0x19: {  	s7 =	sld [smem:$0x3F87]  }
0x1a: {  	s8 =	sadd.s32 $0xFFFFE003, lr  }
0x1b: {  	s9 =	sadd.s32 $0xFFFFFEF7, lr;
	s5 =	simm.s32 $0xFFFFFFFF;
	p2 =	slt.u32 s8, $0xFFFFF086  }
0x1c: {  	p1 =	slt.u32 s9, $0xF7A;
	s5 =	simm.s32 @!p2 $0x0  }
0x1d: {  	s5 =	simm.s32 @p1 $0x1;
	p0 =	seq.s32 s7, s2  }
0x1e: {  	s7 =	smul.u32 @!p0 $0xF7A, s2;
	p2 =	seq.s32 @!p0 s5, $0x0  }
0x1f: {  	s9 =	smul.u32 $0xF7A, s1;
	s8 =	simm.s32 @!p0 $0x1BF5;
	p2 =	por !p2, p0  }
0x20: {  	[sflag:s8] =	ssyncset.s32 @!p0 $0xFFFFF086;
	s6 =	sadd.s32 @!p0 s3, s7;
	s7 =	simm.s32 @!p0 $0x108  }
0x21: {  	s3 =	sadd.s32 s3, s9;
	s6 =	sadd.s32 @!p0 $0x88, s6;
	s7 =	simm.s32 @p2 $0x1082  }
0x22: {  	[simem:s7], [sflag:s8] =	dma.local @!p0 [hbm:s6], $0xF7A  }
0x23: {  	s9 =	sor.u32 $0xD0000000, s2;
	s6 =	simm.s32 $0x108;
	_ =	swait.ge @!p0 [sflag:s8], $0x0  }
0x24: {  	s3 =	sadd.s32 $0x88, s3;
	s6 =	simm.s32 @!p1 $0x1082;
	[sflag:s4] =	ssyncset.s32 $0xFFFFF086  }
0x25: {  	[simem:s6], [sflag:s4] =	dma.local [hbm:s3], $0xF7A  }
0x26: {  	[smem:$0x3F87] =	sst s1;
	(tag) =	ssettag s2;
	_ =	strace s9  }
0x27: {  	s1 =	sld [smem:$0x3F97]  }
0x28: {  	s2 =	sld [smem:$0x3F98]  }
0x29: {  	s4 =	sld [smem:$0x3F9A]  }
0x2a: {  	p0 =	seq.s32 s5, $0x0;
	s5 =	sld [smem:$0x3F9B]  }
0x2b: {  	s6 =	sld [smem:$0x3F9C]  }
0x2c: {  	s7 =	sld [smem:$0x3F9D]  }
0x2d: {  	s3 =	simm.s32 $0x108;
	s8 =	sld [smem:$0x3F9E]  }
0x2e: {  	s3 =	simm.s32 @!p0 $0x1082;
	s9 =	sld [smem:$0x3F9F]  }
0x2f: {  	lr =	sadd.s32 s0, s3;
	s0 =	sld [smem:$0x3F96]  }
0x30: {  	s3 =	sld [smem:$0x3F99]  }
0x31: {  	[smem:$0x3FA2] =	sst s10  }
0x32: {  	s10 =	sld [smem:$0x3FA0];
	_ =	sdelay $0x3  }
0x33: {  	p0 =	seq.s32 s10, $0x1;
	s10 =	sld [smem:$0x3FA2];
	_ =	sdelay $0x3  }
0x34: {  	[smem:$0x3FA2] =	sst s10  }
0x35: {  	s10 =	sld [smem:$0x3FA1];
	_ =	sdelay $0x3  }
0x36: {  	p1 =	seq.s32 s10, $0x1;
	s10 =	sld [smem:$0x3FA2];
	_ =	sdelay $0x3  }
0x37: {  	[smem:$0x3FA2] =	sst s10  }
0x38: {  	s10 =	sld [smem:$0x3FA3]  }
0x39: {  	_ = 	snop;
	(pc) =	sbr.ind lr, $3  }
0x3a: {  	_ = 	snop  }
0x3b: {  	_ = 	snop  }
0x3c: {  	p2 =	seq.s32 s10, $0x1;
	s10 =	sld [smem:$0x3FA2]  }
0x3d: {  	_ =	shalt  }
0x3e: {  	_ =	shalt  }
0x3f: {  	_ =	shalt  }
0x40: {  	_ =	shalt  }
0x41: {  	_ =	shalt  }
0x42: {  	_ =	shalt  }
0x43: {  	_ =	shalt  }
0x44: {  	_ =	shalt  }
0x45: {  	_ =	shalt  }
0x46: {  	_ =	shalt  }
0x47: {  	_ =	shalt  }
0x48: {  	_ =	shalt  }
0x49: {  	_ =	shalt  }
0x4a: {  	_ =	shalt  }
0x4b: {  	_ =	shalt  }
0x4c: {  	_ =	shalt  }
0x4d: {  	_ =	shalt  }
0x4e: {  	_ =	shalt  }
0x4f: {  	_ =	shalt  }
0x50: {  	_ =	shalt  }
0x51: {  	_ =	shalt  }
0x52: {  	_ =	shalt  }
0x53: {  	_ =	shalt  }
0x54: {  	_ =	shalt  }
0x55: {  	_ =	shalt  }
0x56: {  	_ =	shalt  }
0x57: {  	_ =	shalt  }
0x58: {  	_ =	shalt  }
0x59: {  	_ =	shalt  }
0x5a: {  	_ =	shalt  }
0x5b: {  	_ =	shalt  }
0x5c: {  	_ =	shalt  }
0x5d: {  	_ =	shalt  }
0x5e: {  	_ =	shalt  }
0x5f: {  	_ =	shalt  }
0x60: {  	_ =	shalt  }
0x61: {  	_ =	shalt  }
0x62: {  	_ =	shalt  }
0x63: {  	_ =	shalt  }
0x64: {  	_ =	shalt  }
0x65: {  	_ =	shalt  }
0x66: {  	_ =	shalt  }
0x67: {  	_ =	shalt  }
0x68: {  	_ =	shalt  }
0x69: {  	_ =	shalt  }
0x6a: {  	_ =	shalt  }
0x6b: {  	_ =	shalt  }
0x6c: {  	_ =	shalt  }
0x6d: {  	_ =	shalt  }
0x6e: {  	_ =	shalt  }
0x6f: {  	_ =	shalt  }
0x70: {  	_ =	shalt  }
0x71: {  	_ =	shalt  }
0x72: {  	_ =	shalt  }
0x73: {  	_ =	shalt  }
0x74: {  	_ =	shalt  }
0x75: {  	_ =	shalt  }
0x76: {  	_ =	shalt  }
0x77: {  	_ =	shalt  }
0x78: {  	_ =	shalt  }
0x79: {  	_ =	shalt  }
0x7a: {  	_ =	shalt  }
0x7b: {  	_ =	shalt  }
0x7c: {  	_ =	shalt  }
0x7d: {  	_ =	shalt  }
0x7e: {  	_ =	shalt  }
0x7f: {  	_ =	shalt  }
0x80: {  	_ =	shalt  }
0x81: {  	_ =	shalt  }
0x82: {  	_ =	shalt  }
0x83: {  	_ =	shalt  }
0x84: {  	_ =	shalt  }
0x85: {  	_ =	shalt  }
0x86: {  	_ =	shalt  }
0x87: {  	_ =	shalt  }
.Lfunc_end0:
.L_simem_size_0:
called_computation.2_lowered:
.L_overlay_start_0:
0x88: {  	s2 =	sld [smem:$0x3FD9]  }
0x89: {  	s3 =	sld [smem:$0x3FFE];
	_ =	sdelay $0x1  }
0x8a: {  	s1 =	srdreg.scid  }
0x8b: {  	s0 =	sand.u32 $0x1, s1  }
0x8c: {  	s16 =	sshll.u32 s0, $0xA;
	s2 =	sadd.s32 s3, s2  }
0x8d: {  	s2 =	sadd.s32 s2, s16  }
0x8e: {  	[smem:$0x3FAE] =	sst s2  }
0x8f: {  	_ = 	snop  }
0x90: {  	(tm) =	ssettm $0x1  }
0x91: {  	s17 =	sld [smem:$0x3FFB];
	_ =	sdelay $0x3  }
0x92: {  	_ =	strace s17  }
0x93: {  	s2 =	sld [smem:$0x3FFC];
	_ =	sdelay $0x3  }
0x94: {  	_ =	strace s2  }
0x95: {  	s2 =	sld [smem:$0x3FFD];
	_ =	sdelay $0x3  }
0x96: {  	_ =	strace s2  }
0x97: {  	_ =	strace $0x8FFFFFFF  }
0x98: {  	s18 =	sld [smem:$0x3FDB];
	_ =	sdelay $0x1  }
0x99: {  	s19 =	simm.s32 $_scs_section_size  }
0x9a: {  	s4 =	simm.s32 $_size__tile_overlayer_lowered;
	s5 =	simm.s32 $_tile_overlayer_lowered  }
0x9b: {  	s22 =	simm.s32 $0x1BFF;
	s21 =	sshll.u32 s5, $0x1;
	s2 =	sadd.s32 s19, s18  }
0x9c: {  	s6 =	simm.s32 $0x0;
	s20 =	sshll.u32 s4, $0x1;
	s4 =	sadd.s32 s21, s2  }
0x9d: {  	[timem:s6], [sflag:s22] =	dma.local [hbm:s4], s20  }
0x9e: {  	_ =	swait.ge [sflag:s22], s20  }
0x9f: {  	s3 =	ssub.s32 $0x0, s20;
	[sflag:s22] =	ssyncset.done $0x0  }
0xa0: {  	[sflag:s22] =	ssyncadd.s32 s3;
	_ =	sdelay $0x1  }
0xa1: {  	s23 =	simm.s32 $0x1B8B  }
0xa2: {  	_ =	swait.ge [sflag:s23], $0x1  }
0xa3: {  	[sflag:s23] =	ssyncset.done $0x0  }
0xa4: {  	s25 =	simm.s32 $0x1B8E;
	s24 =	sld [smem:$0x3FFE];
	[sflag:s23] =	ssyncadd.s32 $0xFFFFFFFF  }
0xa5: {  	s26 =	simm.s32 $execute0_lowered;
	[smem:$0x3FD2] =	sst s25  }
0xa6: {  	s4 =	sshll.u32 s26, $0x1;
	_ =	strace $0x8000004C;
	[dreg:$0x1] =	wrdreg $0xFFFFFFFF  }
0xa7: {  	s28 =	simm.s32 $_size_execute0_lowered;
	s2 =	sadd.s32 s2, s4;
	[dreg:$0x0] =	wrdreg $0x0  }
0xa8: {  	s4 =	sshll.u32 s28, $0x1;
	[dreg:$0x2] =	wrdreg s2  }
0xa9: {  	[dreg:$0x3] =	wrdreg s4  }
0xaa: {  	[dreg:$0x4] =	wrdreg $0xC0  }
0xab: {  	_ =	task [dreg:s6], $0x5FFFF  }
0xac: {  	[dreg:$0x1] =	wrdreg $0xFFFFFFFF  }
0xad: {  	[dreg:$0x0] =	wrdreg $0x60  }
0xae: {  	[dreg:$0x2] =	wrdreg s24  }
0xaf: {  	[dreg:$0x3] =	wrdreg $0x62200  }
0xb0: {  	[dreg:$0x4] =	wrdreg $0x9  }
0xb1: {  	_ =	task.clear_ibuf [dreg:s6], $0x5FFFF;
	_ =	strace $0x9000004C  }
0xb2: {  	s29 =	simm.s32 $0x9;
	_ =	strace $0x8000004E  }
0xb3: {  	_ =	swait.ge [sflag:s29], $0x1  }
0xb4: {  	[sflag:s29] =	ssyncadd.s32 $0xFFFFFFFF  }
0xb5: {  	_ =	strace $0x9000004E  }
0xb6: {  	_ =	sfence  }
0xb7: {  	s30 =	sld [smem:$0x0];
	_ =	sdelay $0x2  }
0xb8: {  	s31 =	sshll.u32 s1, $0xD;
	s1 =	sshrl.u32 s1, $0x2  }
0xb9: {  	s3 =	sand.u32 $0x4000, s31;
	s1 =	sadd.s32 s1, s30  }
0xba: {  	s0 =	sor.u32 s3, s0;
	s1 =	sshll.u32 s1, $0x11  }
0xbb: {  	s0 =	sor.u32 s1, s0  }
0xbc: {  	s0 =	sadd.s32 $0x8F2B, s0  }
0xbd: {  	[sflag:s0] =	ssyncadd.remote.s32 $0x1  }
0xbe: {  	_ =	sfence.sel $0xFFFF  }
0xbf: {  	[dreg:$0x0] =	wrdreg $0xFFFFFFFF;
	(pc) =	sbr.abs _section_cstart, $3  }
0xc0: {  	[dreg:$0x1] =	wrdreg $0xFFFFFFFF  }
0xc1: {  	_ =	task.clear_ibuf [dreg:s6], $0x2FFFF;
	_ =	strace $0x9FFFFFFF  }
0xc2: {  	(tm) =	ssettm $0x7FFFFFFF  }
0xc3: {  	_ =	shalt  }
tec
execute0_lowered:
.L_overlay_start_1:
0x0: {  	(tag) =	ssettag $0x1  }
0x1: {  	s6 =	rddreg [dreg:$0x0];
	s0 =	srdreg.scid  }
0x2: {  	s2 =	rddreg [dreg:$0x1];
	s1 =	stileid.u32  }
0x3: {  	s3 =	simm.s32 $0x0;
	s14 =	simm.s32 $0x50;
	s15 =	simm.s32 $0x4E20  }
0x4: {  	s16 =	simm.s32 $0x1;
	s5 =	sand.u32 $0x1, s0;
	s0 =	rddreg [dreg:$0x2]  }
0x5: {  	s17 =	simm.s32 $0x0;
	s8 =	smul.u32 $0x9E00, s1;
	[smem:$0x7FF] =	sst s3  }
0x6: {  	s12 =	sshll.u32 s1, $0x6;
	s4 =	sshll.u32 s5, $0x4;
	s7 =	smul.u32 $0x9E000, s5  }
0x7: {  	_ =	strace $0x8000004D;
	s10 =	ssub.s32 $0x2, s5;
	s5 =	sadd.s32 $0x2BC00, s6  }
0x8: {  	s12 =	sor.u32 $0x1C02, s12;
	s4 =	sor.u32 s1, s4;
	s31 =	sshrl.u32 s10, $0x1  }
0x9: {  	s13 =	sadd.s32 s8, s2;
	s9 =	smul.u32 $0x4E2, s4;
	s7 =	sadd.s32 s8, s7  }
0xa: {  	s4 =	sadd.s32 $0x18200, s6;
	s10 =	ssub.s32 s10, s31;
	s7 =	sshrl.u32 s7, $0x3  }
0xb: {  	s13 =	sshrl.u32 s13, $0x3;
	s9 =	sadd.s32 s9, s6;
	s11 =	sadd.s32 s7, s6  }
0xc: {  	s6 =	sadd.s32 $0xE400, s9;
	s7 =	sadd.s32 $0x4600, s9;
	s8 =	sadd.s32 $0x2D000, s11  }
0xd: {  	s9 =	smax.u32 s10, $0x1;
	s10 =	simm.s32 $0x2;
	s11 =	simm.s32 $0x2710  }
.LBB2_1:
0xe: {  	[tilespmem:s3], [sflag:$0x2] =	stream.linear.gather [hbm4b:s6+s3], $0x2710, $0x38;
	[tilespmem:$0x10020] =	vst v63  }
0xf: {  	_ =	swait.ge [sflag:s10], $0x2710  }
0x10: {  	[sflag:s10] =	ssyncset.done $0x0  }
0x11: {  	[sflag:s10] =	ssyncadd.s32 $0xFFFFD8F0  }
0x12: {  	[tilespmem:s11], [sflag:$0x2] =	stream.linear.gather [hbm4b:s7+s3], $0x2710, $0x38;
	[tilespmem:$0x10020] =	vst v63  }
0x13: {  	_ =	swait.ge [sflag:s10], $0x2710  }
0x14: {  	[sflag:s10] =	ssyncset.done $0x0  }
0x15: {  	[sflag:s10] =	ssyncadd.s32 $0xFFFFD8F0  }
0x16: {  	[spmem:s13], [sflag:s12] =	dma.local [hbm:s5], $0x13C0  }
0x17: {  	_ =	swait.ge [sflag:s10], $0x13C0  }
0x18: {  	[sflag:s10] =	ssyncset.done $0x0  }
0x19: {  	[sflag:s10] =	ssyncadd.s32 $0xFFFFEC40  }
0x1a: {  	s18 =	simm.s32 $0x0;
	[bflag:$0x0] =	sbarrier.arrive $0xFFFF  }
0x1b: {  	[tilespmem:s15], [sflag:$0x1] =	stream.indirect.gather [hbm4b:s4+s14], $0x40, s18, s14, $0xb8;
	[tilespmem:$0x10020] =	vst v63  }
0x1c: {  	_ =	swait.ge [sflag:s16], $0x1400  }
0x1d: {  	[sflag:s16] =	ssyncset.done $0x0  }
0x1e: {  	s31 =	simm.s32 $0x2710;
	[sflag:s16] =	ssyncadd.s32 $0xFFFFEC00  }
0x1f: {  	[spmem:s2] =	stream.indirect.scatter.add.f32 [tilespmem:s15], [sflag:$0x2], $0x40, s31, s14, $0xb8;
	[tilespmem:$0x10020] =	vst v63  }
0x20: {  	_ =	swait.ge [sflag:s10], $0x1400  }
0x21: {  	s19 =	simm.s32 $0x280;
	s18 =	simm.s32 $0x140;
	[sflag:s10] =	ssyncset.done $0x0  }
.LBB2_2:
0x22: {  	s20 =	sshra.s32 s18, $0x2  }
0x23: {  	[sflag:s10] =	ssyncadd.s32 $0xFFFFEC00;
	s18 =	smov.u32 s19;
	s21 =	sadd.s32 $0x140, s19  }
0x24: {  	[tilespmem:s15], [sflag:$0x1] =	stream.indirect.gather [hbm4b:s4+s14], $0x40, s20, s14, $0xb8;
	[tilespmem:$0x10020] =	vst v63  }
0x25: {  	p0 =	sne.s32 s19, $0x9B00;
	_ =	swait.ge [sflag:s16], $0x1400  }
.Ltmp0:
0x26: {  	[sflag:s16] =	ssyncset.done $0x0;
	(pc) =	sbr.rel @p0 .LBB2_2-.Ltmp0, $4  }
0x27: {  	s19 =	sadd.s32 $0x2710, s20;
	[sflag:s16] =	ssyncadd.s32 $0xFFFFEC00  }
0x28: {  	[spmem:s2] =	stream.indirect.scatter.add.f32 [tilespmem:s15], [sflag:$0x2], $0x40, s19, s14, $0xb8;
	[tilespmem:$0x10020] =	vst v63  }
0x29: {  	_ =	swait.ge [sflag:s10], $0x1400  }
0x2a: {  	s19 =	smov.u32 s21;
	[sflag:s10] =	ssyncset.done $0x0  }
0x2b: {  	s18 =	sshra.s32 s18, $0x2;
	[sflag:s10] =	ssyncadd.s32 $0xFFFFEC00  }
0x2c: {  	[tilespmem:s15], [sflag:$0x1] =	stream.indirect.gather [hbm4b:s4+s14], $0x40, s18, s14, $0xb8;
	[tilespmem:$0x10020] =	vst v63  }
0x2d: {  	_ =	swait.ge [sflag:s16], $0x1400  }
0x2e: {  	[sflag:s16] =	ssyncset.done $0x0  }
0x2f: {  	s18 =	sadd.s32 $0x2710, s18;
	[sflag:s16] =	ssyncadd.s32 $0xFFFFEC00  }
0x30: {  	[spmem:s2] =	stream.indirect.scatter.add.f32 [tilespmem:s15], [sflag:$0x2], $0x40, s18, s14, $0xb8;
	[tilespmem:$0x10020] =	vst v63  }
0x31: {  	_ =	swait.ge [sflag:s10], $0x1400  }
0x32: {  	s17 =	sadd.s32 $0x1, s17;
	[sflag:s10] =	ssyncset.done $0x0  }
0x33: {  	p0 =	sne.s32 s17, s9;
	[sflag:s10] =	ssyncadd.s32 $0xFFFFEC00  }
.Ltmp1:
0x34: {  	[bflag:$0x0] =	sbarrier.arrive $0xFFFF;
	(pc) =	sbr.rel @p0 .LBB2_1-.Ltmp1, $4  }
0x35: {  	[hbm:s8], [sflag:s12] =	dma.local [spmem:s13], $0x13C0  }
0x36: {  	_ =	swait.ge [sflag:s10], $0x13C0  }
0x37: {  	[sflag:s10] =	ssyncset.done $0x0  }
0x38: {  	[sflag:s10] =	ssyncadd.s32 $0xFFFFEC40  }
0x39: {  	_ =	sfence.sel $0x180000  }
0x3a: {  	[bflag:$0x0] =	sbarrier.arrive $0xFFFF  }
0x3b: {  	p0 =	sne.s32 s1, $0x0;
	_ =	strace $0x9000004D  }
0x3c: {  	s0 =	sadd.s32 @!p0 $0x100000, s0;
	[bflag:$0x2] =	sbarrier.arrive $0xFFFF  }
0x3d: {  	[sflag:s0] =	ssyncadd.tile.s32 @!p0 $0x1;
	_ =	shalt  }
.Lfunc_end2:
_tile_overlayer_lowered:
.L_overlay_start_2:
0x3e: {  	(tag) =	ssettag $0x2  }
0x3f: {  	s0 =	rddreg [dreg:$0x0];
	s2 =	stileid.u32  }
0x40: {  	s1 =	rddreg [dreg:$0x1];
	p0 =	sne.s32 s2, $0x0  }
0x41: {  	s3 =	rddreg [dreg:$0x2];
	[bflag:$0x3] =	sbarrier.arrive $0xFFFF;
	s2 =	simm.s32 @!p0 $0x1C02  }
0x42: {  	[timem:s3], [sflag:s2] =	dma.local @!p0 [hbm:s0], s1  }
0x43: {  	s0 =	simm.s32 @!p0 $0x2  }
0x44: {  	_ =	swait.ge @!p0 [sflag:s0], s1  }
0x45: {  	s1 =	ssub.s32 @!p0 $0x0, s1;
	[sflag:s0] =	ssyncset.done @!p0 $0x0  }
0x46: {  	[sflag:s0] =	ssyncadd.s32 @!p0 s1  }
0x47: {  	[bflag:$0x3] =	sbarrier.arrive $0xFFFF  }
0x48: {  	_ =	shalt  }

// kernel: sc_agg_f8.4.cloned.1.call-start
scs
__scs_entry_jumppad:
0x0: {  	(pc) =	sbr.rel $0x88, $3  }
0x1: {  	(tag) =	ssettag $0x0;
	lr =	simm.s32 $0x1  }
0x2: {  	[smem:$0x3F87] =	sst lr;
	_ =	strace $0xD0000000  }
0x3: {  	_ = 	snop  }
0x4: {  	_ = 	snop  }
0x5: {  	_ = 	snop  }
0x6: {  	_ = 	snop  }
0x7: {  	_ = 	snop  }
__scs_overlays_trampoline_lowered:
0x8: {  	[smem:$0x3F96] =	sst s0  }
0x9: {  	[smem:$0x3F97] =	sst s1  }
0xa: {  	[smem:$0x3F98] =	sst s2  }
0xb: {  	[smem:$0x3F99] =	sst s3  }
0xc: {  	[smem:$0x3F9A] =	sst s4  }
0xd: {  	[smem:$0x3F9B] =	sst s5  }
0xe: {  	[smem:$0x3F9C] =	sst s6  }
0xf: {  	[smem:$0x3F9D] =	sst s7  }
0x10: {  	[smem:$0x3F9E] =	sst s8  }
0x11: {  	[smem:$0x3F9F] =	sst s9;
	s0 =	simm.s32 @!p0 $0x0  }
0x12: {  	s1 =	sld [smem:$0x3F85];
	s0 =	simm.s32 @p0 $0x1  }
0x13: {  	[smem:$0x3FA0] =	sst s0;
	s0 =	simm.s32 @!p1 $0x0  }
0x14: {  	s2 =	sld [smem:$0x3F84];
	s0 =	simm.s32 @p1 $0x1  }
0x15: {  	[smem:$0x3FA1] =	sst s0;
	s0 =	simm.s32 @!p2 $0x0  }
0x16: {  	s3 =	sld [smem:$0x3FDB];
	s0 =	simm.s32 @p2 $0x1  }
0x17: {  	s4 =	simm.s32 $0x1BF5;
	[smem:$0x3FA3] =	sst s0  }
0x18: {  	s0 =	sld [smem:$0x3F86];
	_ =	swait.ge [sflag:s4], $0x0  }
0x19: {  	s7 =	sld [smem:$0x3F87]  }
0x1a: {  	s8 =	sadd.s32 $0xFFFFE003, lr  }
0x1b: {  	s9 =	sadd.s32 $0xFFFFFEF7, lr;
	s5 =	simm.s32 $0xFFFFFFFF;
	p2 =	slt.u32 s8, $0xFFFFF086  }
0x1c: {  	p1 =	slt.u32 s9, $0xF7A;
	s5 =	simm.s32 @!p2 $0x0  }
0x1d: {  	s5 =	simm.s32 @p1 $0x1;
	p0 =	seq.s32 s7, s2  }
0x1e: {  	s7 =	smul.u32 @!p0 $0xF7A, s2;
	p2 =	seq.s32 @!p0 s5, $0x0  }
0x1f: {  	s9 =	smul.u32 $0xF7A, s1;
	s8 =	simm.s32 @!p0 $0x1BF5;
	p2 =	por !p2, p0  }
0x20: {  	[sflag:s8] =	ssyncset.s32 @!p0 $0xFFFFF086;
	s6 =	sadd.s32 @!p0 s3, s7;
	s7 =	simm.s32 @!p0 $0x108  }
0x21: {  	s3 =	sadd.s32 s3, s9;
	s6 =	sadd.s32 @!p0 $0x88, s6;
	s7 =	simm.s32 @p2 $0x1082  }
0x22: {  	[simem:s7], [sflag:s8] =	dma.local @!p0 [hbm:s6], $0xF7A  }
0x23: {  	s9 =	sor.u32 $0xD0000000, s2;
	s6 =	simm.s32 $0x108;
	_ =	swait.ge @!p0 [sflag:s8], $0x0  }
0x24: {  	s3 =	sadd.s32 $0x88, s3;
	s6 =	simm.s32 @!p1 $0x1082;
	[sflag:s4] =	ssyncset.s32 $0xFFFFF086  }
0x25: {  	[simem:s6], [sflag:s4] =	dma.local [hbm:s3], $0xF7A  }
0x26: {  	[smem:$0x3F87] =	sst s1;
	(tag) =	ssettag s2;
	_ =	strace s9  }
0x27: {  	s1 =	sld [smem:$0x3F97]  }
0x28: {  	s2 =	sld [smem:$0x3F98]  }
0x29: {  	s4 =	sld [smem:$0x3F9A]  }
0x2a: {  	p0 =	seq.s32 s5, $0x0;
	s5 =	sld [smem:$0x3F9B]  }
0x2b: {  	s6 =	sld [smem:$0x3F9C]  }
0x2c: {  	s7 =	sld [smem:$0x3F9D]  }
0x2d: {  	s3 =	simm.s32 $0x108;
	s8 =	sld [smem:$0x3F9E]  }
0x2e: {  	s3 =	simm.s32 @!p0 $0x1082;
	s9 =	sld [smem:$0x3F9F]  }
0x2f: {  	lr =	sadd.s32 s0, s3;
	s0 =	sld [smem:$0x3F96]  }
0x30: {  	s3 =	sld [smem:$0x3F99]  }
0x31: {  	[smem:$0x3FA2] =	sst s10  }
0x32: {  	s10 =	sld [smem:$0x3FA0];
	_ =	sdelay $0x3  }
0x33: {  	p0 =	seq.s32 s10, $0x1;
	s10 =	sld [smem:$0x3FA2];
	_ =	sdelay $0x3  }
0x34: {  	[smem:$0x3FA2] =	sst s10  }
0x35: {  	s10 =	sld [smem:$0x3FA1];
	_ =	sdelay $0x3  }
0x36: {  	p1 =	seq.s32 s10, $0x1;
	s10 =	sld [smem:$0x3FA2];
	_ =	sdelay $0x3  }
0x37: {  	[smem:$0x3FA2] =	sst s10  }
0x38: {  	s10 =	sld [smem:$0x3FA3]  }
0x39: {  	_ = 	snop;
	(pc) =	sbr.ind lr, $3  }
0x3a: {  	_ = 	snop  }
0x3b: {  	_ = 	snop  }
0x3c: {  	p2 =	seq.s32 s10, $0x1;
	s10 =	sld [smem:$0x3FA2]  }
0x3d: {  	_ =	shalt  }
0x3e: {  	_ =	shalt  }
0x3f: {  	_ =	shalt  }
0x40: {  	_ =	shalt  }
0x41: {  	_ =	shalt  }
0x42: {  	_ =	shalt  }
0x43: {  	_ =	shalt  }
0x44: {  	_ =	shalt  }
0x45: {  	_ =	shalt  }
0x46: {  	_ =	shalt  }
0x47: {  	_ =	shalt  }
0x48: {  	_ =	shalt  }
0x49: {  	_ =	shalt  }
0x4a: {  	_ =	shalt  }
0x4b: {  	_ =	shalt  }
0x4c: {  	_ =	shalt  }
0x4d: {  	_ =	shalt  }
0x4e: {  	_ =	shalt  }
0x4f: {  	_ =	shalt  }
0x50: {  	_ =	shalt  }
0x51: {  	_ =	shalt  }
0x52: {  	_ =	shalt  }
0x53: {  	_ =	shalt  }
0x54: {  	_ =	shalt  }
0x55: {  	_ =	shalt  }
0x56: {  	_ =	shalt  }
0x57: {  	_ =	shalt  }
0x58: {  	_ =	shalt  }
0x59: {  	_ =	shalt  }
0x5a: {  	_ =	shalt  }
0x5b: {  	_ =	shalt  }
0x5c: {  	_ =	shalt  }
0x5d: {  	_ =	shalt  }
0x5e: {  	_ =	shalt  }
0x5f: {  	_ =	shalt  }
0x60: {  	_ =	shalt  }
0x61: {  	_ =	shalt  }
0x62: {  	_ =	shalt  }
0x63: {  	_ =	shalt  }
0x64: {  	_ =	shalt  }
0x65: {  	_ =	shalt  }
0x66: {  	_ =	shalt  }
0x67: {  	_ =	shalt  }
0x68: {  	_ =	shalt  }
0x69: {  	_ =	shalt  }
0x6a: {  	_ =	shalt  }
0x6b: {  	_ =	shalt  }
0x6c: {  	_ =	shalt  }
0x6d: {  	_ =	shalt  }
0x6e: {  	_ =	shalt  }
0x6f: {  	_ =	shalt  }
0x70: {  	_ =	shalt  }
0x71: {  	_ =	shalt  }
0x72: {  	_ =	shalt  }
0x73: {  	_ =	shalt  }
0x74: {  	_ =	shalt  }
0x75: {  	_ =	shalt  }
0x76: {  	_ =	shalt  }
0x77: {  	_ =	shalt  }
0x78: {  	_ =	shalt  }
0x79: {  	_ =	shalt  }
0x7a: {  	_ =	shalt  }
0x7b: {  	_ =	shalt  }
0x7c: {  	_ =	shalt  }
0x7d: {  	_ =	shalt  }
0x7e: {  	_ =	shalt  }
0x7f: {  	_ =	shalt  }
0x80: {  	_ =	shalt  }
0x81: {  	_ =	shalt  }
0x82: {  	_ =	shalt  }
0x83: {  	_ =	shalt  }
0x84: {  	_ =	shalt  }
0x85: {  	_ =	shalt  }
0x86: {  	_ =	shalt  }
0x87: {  	_ =	shalt  }
.Lfunc_end0:
.L_simem_size_0:
called_computation_lowered:
.L_overlay_start_0:
0x88: {  	s2 =	sld [smem:$0x3FD9]  }
0x89: {  	s3 =	sld [smem:$0x3FFE];
	_ =	sdelay $0x1  }
0x8a: {  	s1 =	srdreg.scid  }
0x8b: {  	s0 =	sand.u32 $0x1, s1  }
0x8c: {  	s16 =	sshll.u32 s0, $0xA;
	s2 =	sadd.s32 s3, s2  }
0x8d: {  	s2 =	sadd.s32 s2, s16  }
0x8e: {  	[smem:$0x3FAE] =	sst s2  }
0x8f: {  	_ = 	snop  }
0x90: {  	(tm) =	ssettm $0x1  }
0x91: {  	s17 =	sld [smem:$0x3FFB];
	_ =	sdelay $0x3  }
0x92: {  	_ =	strace s17  }
0x93: {  	s2 =	sld [smem:$0x3FFC];
	_ =	sdelay $0x3  }
0x94: {  	_ =	strace s2  }
0x95: {  	s2 =	sld [smem:$0x3FFD];
	_ =	sdelay $0x3  }
0x96: {  	_ =	strace s2  }
0x97: {  	_ =	strace $0x8FFFFFFF  }
0x98: {  	s18 =	sld [smem:$0x3FDB];
	_ =	sdelay $0x1  }
0x99: {  	s19 =	simm.s32 $_scs_section_size  }
0x9a: {  	s4 =	simm.s32 $_size__tile_overlayer_lowered;
	s5 =	simm.s32 $_tile_overlayer_lowered  }
0x9b: {  	s22 =	simm.s32 $0x1BFF;
	s21 =	sshll.u32 s5, $0x1;
	s2 =	sadd.s32 s19, s18  }
0x9c: {  	s6 =	simm.s32 $0x0;
	s20 =	sshll.u32 s4, $0x1;
	s4 =	sadd.s32 s21, s2  }
0x9d: {  	[timem:s6], [sflag:s22] =	dma.local [hbm:s4], s20  }
0x9e: {  	_ =	swait.ge [sflag:s22], s20  }
0x9f: {  	s3 =	ssub.s32 $0x0, s20;
	[sflag:s22] =	ssyncset.done $0x0  }
0xa0: {  	[sflag:s22] =	ssyncadd.s32 s3;
	_ =	sdelay $0x1  }
0xa1: {  	s23 =	simm.s32 $0x1B8B  }
0xa2: {  	_ =	swait.ge [sflag:s23], $0x1  }
0xa3: {  	[sflag:s23] =	ssyncset.done $0x0  }
0xa4: {  	s25 =	simm.s32 $0x1B8E;
	s24 =	sld [smem:$0x3FFE];
	[sflag:s23] =	ssyncadd.s32 $0xFFFFFFFF  }
0xa5: {  	s26 =	simm.s32 $execute0_lowered;
	[smem:$0x3FD2] =	sst s25  }
0xa6: {  	s4 =	sshll.u32 s26, $0x1;
	_ =	strace $0x80000046;
	[dreg:$0x1] =	wrdreg $0xFFFFFFFF  }
0xa7: {  	s28 =	simm.s32 $_size_execute0_lowered;
	s2 =	sadd.s32 s2, s4;
	[dreg:$0x0] =	wrdreg $0x0  }
0xa8: {  	s4 =	sshll.u32 s28, $0x1;
	[dreg:$0x2] =	wrdreg s2  }
0xa9: {  	[dreg:$0x3] =	wrdreg s4  }
0xaa: {  	[dreg:$0x4] =	wrdreg $0xC0  }
0xab: {  	_ =	task [dreg:s6], $0x5FFFF  }
0xac: {  	[dreg:$0x1] =	wrdreg $0xFFFFFFFF  }
0xad: {  	[dreg:$0x0] =	wrdreg $0x60  }
0xae: {  	[dreg:$0x2] =	wrdreg s24  }
0xaf: {  	[dreg:$0x3] =	wrdreg $0x50A00  }
0xb0: {  	[dreg:$0x4] =	wrdreg $0x9  }
0xb1: {  	_ =	task.clear_ibuf [dreg:s6], $0x5FFFF;
	_ =	strace $0x90000046  }
0xb2: {  	s29 =	simm.s32 $0x9;
	_ =	strace $0x80000048  }
0xb3: {  	_ =	swait.ge [sflag:s29], $0x1  }
0xb4: {  	[sflag:s29] =	ssyncadd.s32 $0xFFFFFFFF  }
0xb5: {  	_ =	strace $0x90000048  }
0xb6: {  	_ =	sfence  }
0xb7: {  	s30 =	sld [smem:$0x0];
	_ =	sdelay $0x2  }
0xb8: {  	s31 =	sshll.u32 s1, $0xD;
	s1 =	sshrl.u32 s1, $0x2  }
0xb9: {  	s3 =	sand.u32 $0x4000, s31;
	s1 =	sadd.s32 s1, s30  }
0xba: {  	s0 =	sor.u32 s3, s0;
	s1 =	sshll.u32 s1, $0x11  }
0xbb: {  	s0 =	sor.u32 s1, s0  }
0xbc: {  	s0 =	sadd.s32 $0x8F2B, s0  }
0xbd: {  	[sflag:s0] =	ssyncadd.remote.s32 $0x1  }
0xbe: {  	_ =	sfence.sel $0xFFFF  }
0xbf: {  	[dreg:$0x0] =	wrdreg $0xFFFFFFFF;
	(pc) =	sbr.abs _section_cstart, $3  }
0xc0: {  	[dreg:$0x1] =	wrdreg $0xFFFFFFFF  }
0xc1: {  	_ =	task.clear_ibuf [dreg:s6], $0x2FFFF;
	_ =	strace $0x9FFFFFFF  }
0xc2: {  	(tm) =	ssettm $0x7FFFFFFF  }
0xc3: {  	_ =	shalt  }
tec
execute0_lowered:
.L_overlay_start_1:
0x0: {  	(tag) =	ssettag $0x1  }
0x1: {  	s6 =	rddreg [dreg:$0x0];
	s0 =	srdreg.scid  }
0x2: {  	s2 =	rddreg [dreg:$0x1];
	s1 =	stileid.u32  }
0x3: {  	s3 =	simm.s32 $0x0;
	s14 =	simm.s32 $0x50;
	s15 =	simm.s32 $0x4E20  }
0x4: {  	s16 =	simm.s32 $0x1;
	s5 =	sand.u32 $0x1, s0;
	s0 =	rddreg [dreg:$0x2]  }
0x5: {  	s17 =	simm.s32 $0x0;
	s8 =	smul.u32 $0x13C0, s1;
	[smem:$0x7FF] =	sst s3  }
0x6: {  	s12 =	sshll.u32 s1, $0x6;
	s4 =	sshll.u32 s5, $0x4;
	s7 =	smul.u32 $0x13C00, s5  }
0x7: {  	_ =	strace $0x80000047;
	s10 =	ssub.s32 $0x2, s5;
	s5 =	sadd.s32 $0x1AA00, s6  }
0x8: {  	s12 =	sor.u32 $0x1C02, s12;
	s4 =	sor.u32 s1, s4;
	s31 =	sshrl.u32 s10, $0x1  }
0x9: {  	s13 =	sadd.s32 s8, s2;
	s9 =	smul.u32 $0x4E2, s4;
	s7 =	sadd.s32 s8, s7  }
0xa: {  	s4 =	sadd.s32 $0x18200, s6;
	s10 =	ssub.s32 s10, s31;
	s7 =	sshrl.u32 s7, $0x3  }
0xb: {  	s13 =	sshrl.u32 s13, $0x3;
	s9 =	sadd.s32 s9, s6;
	s11 =	sadd.s32 s7, s6  }
0xc: {  	s6 =	sadd.s32 $0xE400, s9;
	s7 =	sadd.s32 $0x4600, s9;
	s8 =	sadd.s32 $0x1AE00, s11  }
0xd: {  	s9 =	smax.u32 s10, $0x1;
	s10 =	simm.s32 $0x2;
	s11 =	simm.s32 $0x2710  }
.LBB2_1:
0xe: {  	[tilespmem:s3], [sflag:$0x2] =	stream.linear.gather [hbm4b:s6+s3], $0x2710, $0x38;
	[tilespmem:$0x6460] =	vst v63  }
0xf: {  	_ =	swait.ge [sflag:s10], $0x2710  }
0x10: {  	[sflag:s10] =	ssyncset.done $0x0  }
0x11: {  	[sflag:s10] =	ssyncadd.s32 $0xFFFFD8F0  }
0x12: {  	[tilespmem:s11], [sflag:$0x2] =	stream.linear.gather [hbm4b:s7+s3], $0x2710, $0x38;
	[tilespmem:$0x6460] =	vst v63  }
0x13: {  	_ =	swait.ge [sflag:s10], $0x2710  }
0x14: {  	[sflag:s10] =	ssyncset.done $0x0  }
0x15: {  	[sflag:s10] =	ssyncadd.s32 $0xFFFFD8F0  }
0x16: {  	[spmem:s13], [sflag:s12] =	dma.local [hbm:s5], $0x278  }
0x17: {  	_ =	swait.ge [sflag:s10], $0x278  }
0x18: {  	[sflag:s10] =	ssyncset.done $0x0  }
0x19: {  	[sflag:s10] =	ssyncadd.s32 $0xFFFFFD88  }
0x1a: {  	s18 =	simm.s32 $0x0;
	[bflag:$0x0] =	sbarrier.arrive $0xFFFF  }
0x1b: {  	[tilespmem:s15], [sflag:$0x1] =	stream.indirect.gather [hbm4b:s4+s14], $0x8, s18, s14, $0xb8;
	[tilespmem:$0x6460] =	vst v63  }
0x1c: {  	_ =	swait.ge [sflag:s16], $0x280  }
0x1d: {  	[sflag:s16] =	ssyncset.done $0x0  }
0x1e: {  	s31 =	simm.s32 $0x2710;
	[sflag:s16] =	ssyncadd.s32 $0xFFFFFD80  }
0x1f: {  	[spmem:s2] =	stream.indirect.scatter.add.f32 [tilespmem:s15], [sflag:$0x2], $0x8, s31, s14, $0xb8;
	[tilespmem:$0x6460] =	vst v63  }
0x20: {  	_ =	swait.ge [sflag:s10], $0x280  }
0x21: {  	s19 =	simm.s32 $0x280;
	s18 =	simm.s32 $0x140;
	[sflag:s10] =	ssyncset.done $0x0  }
.LBB2_2:
0x22: {  	s20 =	sshra.s32 s18, $0x2  }
0x23: {  	[sflag:s10] =	ssyncadd.s32 $0xFFFFFD80;
	s18 =	smov.u32 s19;
	s21 =	sadd.s32 $0x140, s19  }
0x24: {  	[tilespmem:s15], [sflag:$0x1] =	stream.indirect.gather [hbm4b:s4+s14], $0x8, s20, s14, $0xb8;
	[tilespmem:$0x6460] =	vst v63  }
0x25: {  	p0 =	sne.s32 s19, $0x9B00;
	_ =	swait.ge [sflag:s16], $0x280  }
.Ltmp0:
0x26: {  	[sflag:s16] =	ssyncset.done $0x0;
	(pc) =	sbr.rel @p0 .LBB2_2-.Ltmp0, $4  }
0x27: {  	s19 =	sadd.s32 $0x2710, s20;
	[sflag:s16] =	ssyncadd.s32 $0xFFFFFD80  }
0x28: {  	[spmem:s2] =	stream.indirect.scatter.add.f32 [tilespmem:s15], [sflag:$0x2], $0x8, s19, s14, $0xb8;
	[tilespmem:$0x6460] =	vst v63  }
0x29: {  	_ =	swait.ge [sflag:s10], $0x280  }
0x2a: {  	s19 =	smov.u32 s21;
	[sflag:s10] =	ssyncset.done $0x0  }
0x2b: {  	s18 =	sshra.s32 s18, $0x2;
	[sflag:s10] =	ssyncadd.s32 $0xFFFFFD80  }
0x2c: {  	[tilespmem:s15], [sflag:$0x1] =	stream.indirect.gather [hbm4b:s4+s14], $0x8, s18, s14, $0xb8;
	[tilespmem:$0x6460] =	vst v63  }
0x2d: {  	_ =	swait.ge [sflag:s16], $0x280  }
0x2e: {  	[sflag:s16] =	ssyncset.done $0x0  }
0x2f: {  	s18 =	sadd.s32 $0x2710, s18;
	[sflag:s16] =	ssyncadd.s32 $0xFFFFFD80  }
0x30: {  	[spmem:s2] =	stream.indirect.scatter.add.f32 [tilespmem:s15], [sflag:$0x2], $0x8, s18, s14, $0xb8;
	[tilespmem:$0x6460] =	vst v63  }
0x31: {  	_ =	swait.ge [sflag:s10], $0x280  }
0x32: {  	s17 =	sadd.s32 $0x1, s17;
	[sflag:s10] =	ssyncset.done $0x0  }
0x33: {  	p0 =	sne.s32 s17, s9;
	[sflag:s10] =	ssyncadd.s32 $0xFFFFFD80  }
.Ltmp1:
0x34: {  	[bflag:$0x0] =	sbarrier.arrive $0xFFFF;
	(pc) =	sbr.rel @p0 .LBB2_1-.Ltmp1, $4  }
0x35: {  	[hbm:s8], [sflag:s12] =	dma.local [spmem:s13], $0x278  }
0x36: {  	_ =	swait.ge [sflag:s10], $0x278  }
0x37: {  	[sflag:s10] =	ssyncset.done $0x0  }
0x38: {  	[sflag:s10] =	ssyncadd.s32 $0xFFFFFD88  }
0x39: {  	_ =	sfence.sel $0x180000  }
0x3a: {  	[bflag:$0x0] =	sbarrier.arrive $0xFFFF  }
0x3b: {  	p0 =	sne.s32 s1, $0x0;
	_ =	strace $0x90000047  }
0x3c: {  	s0 =	sadd.s32 @!p0 $0x100000, s0;
	[bflag:$0x2] =	sbarrier.arrive $0xFFFF  }
0x3d: {  	[sflag:s0] =	ssyncadd.tile.s32 @!p0 $0x1;
	_ =	shalt  }
.Lfunc_end2:
_tile_overlayer_lowered:
.L_overlay_start_2:
0x3e: {  	(tag) =	ssettag $0x2  }
0x3f: {  	s0 =	rddreg [dreg:$0x0];
	s2 =	stileid.u32  }
0x40: {  	s1 =	rddreg [dreg:$0x1];
	p0 =	sne.s32 s2, $0x0  }
0x41: {  	s3 =	rddreg [dreg:$0x2];
	[bflag:$0x3] =	sbarrier.arrive $0xFFFF;
	s2 =	simm.s32 @!p0 $0x1C02  }
0x42: {  	[timem:s3], [sflag:s2] =	dma.local @!p0 [hbm:s0], s1  }
0x43: {  	s0 =	simm.s32 @!p0 $0x2  }
0x44: {  	_ =	swait.ge @!p0 [sflag:s0], s1  }
0x45: {  	s1 =	ssub.s32 @!p0 $0x0, s1;
	[sflag:s0] =	ssyncset.done @!p0 $0x0  }
0x46: {  	[sflag:s0] =	ssyncadd.s32 @!p0 s1  }
0x47: {  	[bflag:$0x3] =	sbarrier.arrive $0xFFFF  }
0x48: {  	_ =	shalt  }

// kernel: sc_agg_f8.7.cloned.1.call-start
scs
__scs_entry_jumppad:
0x0: {  	(pc) =	sbr.rel $0x88, $3  }
0x1: {  	(tag) =	ssettag $0x0;
	lr =	simm.s32 $0x1  }
0x2: {  	[smem:$0x3F87] =	sst lr;
	_ =	strace $0xD0000000  }
0x3: {  	_ = 	snop  }
0x4: {  	_ = 	snop  }
0x5: {  	_ = 	snop  }
0x6: {  	_ = 	snop  }
0x7: {  	_ = 	snop  }
__scs_overlays_trampoline_lowered:
0x8: {  	[smem:$0x3F96] =	sst s0  }
0x9: {  	[smem:$0x3F97] =	sst s1  }
0xa: {  	[smem:$0x3F98] =	sst s2  }
0xb: {  	[smem:$0x3F99] =	sst s3  }
0xc: {  	[smem:$0x3F9A] =	sst s4  }
0xd: {  	[smem:$0x3F9B] =	sst s5  }
0xe: {  	[smem:$0x3F9C] =	sst s6  }
0xf: {  	[smem:$0x3F9D] =	sst s7  }
0x10: {  	[smem:$0x3F9E] =	sst s8  }
0x11: {  	[smem:$0x3F9F] =	sst s9;
	s0 =	simm.s32 @!p0 $0x0  }
0x12: {  	s1 =	sld [smem:$0x3F85];
	s0 =	simm.s32 @p0 $0x1  }
0x13: {  	[smem:$0x3FA0] =	sst s0;
	s0 =	simm.s32 @!p1 $0x0  }
0x14: {  	s2 =	sld [smem:$0x3F84];
	s0 =	simm.s32 @p1 $0x1  }
0x15: {  	[smem:$0x3FA1] =	sst s0;
	s0 =	simm.s32 @!p2 $0x0  }
0x16: {  	s3 =	sld [smem:$0x3FDB];
	s0 =	simm.s32 @p2 $0x1  }
0x17: {  	s4 =	simm.s32 $0x1BF5;
	[smem:$0x3FA3] =	sst s0  }
0x18: {  	s0 =	sld [smem:$0x3F86];
	_ =	swait.ge [sflag:s4], $0x0  }
0x19: {  	s7 =	sld [smem:$0x3F87]  }
0x1a: {  	s8 =	sadd.s32 $0xFFFFE003, lr  }
0x1b: {  	s9 =	sadd.s32 $0xFFFFFEF7, lr;
	s5 =	simm.s32 $0xFFFFFFFF;
	p2 =	slt.u32 s8, $0xFFFFF086  }
0x1c: {  	p1 =	slt.u32 s9, $0xF7A;
	s5 =	simm.s32 @!p2 $0x0  }
0x1d: {  	s5 =	simm.s32 @p1 $0x1;
	p0 =	seq.s32 s7, s2  }
0x1e: {  	s7 =	smul.u32 @!p0 $0xF7A, s2;
	p2 =	seq.s32 @!p0 s5, $0x0  }
0x1f: {  	s9 =	smul.u32 $0xF7A, s1;
	s8 =	simm.s32 @!p0 $0x1BF5;
	p2 =	por !p2, p0  }
0x20: {  	[sflag:s8] =	ssyncset.s32 @!p0 $0xFFFFF086;
	s6 =	sadd.s32 @!p0 s3, s7;
	s7 =	simm.s32 @!p0 $0x108  }
0x21: {  	s3 =	sadd.s32 s3, s9;
	s6 =	sadd.s32 @!p0 $0x88, s6;
	s7 =	simm.s32 @p2 $0x1082  }
0x22: {  	[simem:s7], [sflag:s8] =	dma.local @!p0 [hbm:s6], $0xF7A  }
0x23: {  	s9 =	sor.u32 $0xD0000000, s2;
	s6 =	simm.s32 $0x108;
	_ =	swait.ge @!p0 [sflag:s8], $0x0  }
0x24: {  	s3 =	sadd.s32 $0x88, s3;
	s6 =	simm.s32 @!p1 $0x1082;
	[sflag:s4] =	ssyncset.s32 $0xFFFFF086  }
0x25: {  	[simem:s6], [sflag:s4] =	dma.local [hbm:s3], $0xF7A  }
0x26: {  	[smem:$0x3F87] =	sst s1;
	(tag) =	ssettag s2;
	_ =	strace s9  }
0x27: {  	s1 =	sld [smem:$0x3F97]  }
0x28: {  	s2 =	sld [smem:$0x3F98]  }
0x29: {  	s4 =	sld [smem:$0x3F9A]  }
0x2a: {  	p0 =	seq.s32 s5, $0x0;
	s5 =	sld [smem:$0x3F9B]  }
0x2b: {  	s6 =	sld [smem:$0x3F9C]  }
0x2c: {  	s7 =	sld [smem:$0x3F9D]  }
0x2d: {  	s3 =	simm.s32 $0x108;
	s8 =	sld [smem:$0x3F9E]  }
0x2e: {  	s3 =	simm.s32 @!p0 $0x1082;
	s9 =	sld [smem:$0x3F9F]  }
0x2f: {  	lr =	sadd.s32 s0, s3;
	s0 =	sld [smem:$0x3F96]  }
0x30: {  	s3 =	sld [smem:$0x3F99]  }
0x31: {  	[smem:$0x3FA2] =	sst s10  }
0x32: {  	s10 =	sld [smem:$0x3FA0];
	_ =	sdelay $0x3  }
0x33: {  	p0 =	seq.s32 s10, $0x1;
	s10 =	sld [smem:$0x3FA2];
	_ =	sdelay $0x3  }
0x34: {  	[smem:$0x3FA2] =	sst s10  }
0x35: {  	s10 =	sld [smem:$0x3FA1];
	_ =	sdelay $0x3  }
0x36: {  	p1 =	seq.s32 s10, $0x1;
	s10 =	sld [smem:$0x3FA2];
	_ =	sdelay $0x3  }
0x37: {  	[smem:$0x3FA2] =	sst s10  }
0x38: {  	s10 =	sld [smem:$0x3FA3]  }
0x39: {  	_ = 	snop;
	(pc) =	sbr.ind lr, $3  }
0x3a: {  	_ = 	snop  }
0x3b: {  	_ = 	snop  }
0x3c: {  	p2 =	seq.s32 s10, $0x1;
	s10 =	sld [smem:$0x3FA2]  }
0x3d: {  	_ =	shalt  }
0x3e: {  	_ =	shalt  }
0x3f: {  	_ =	shalt  }
0x40: {  	_ =	shalt  }
0x41: {  	_ =	shalt  }
0x42: {  	_ =	shalt  }
0x43: {  	_ =	shalt  }
0x44: {  	_ =	shalt  }
0x45: {  	_ =	shalt  }
0x46: {  	_ =	shalt  }
0x47: {  	_ =	shalt  }
0x48: {  	_ =	shalt  }
0x49: {  	_ =	shalt  }
0x4a: {  	_ =	shalt  }
0x4b: {  	_ =	shalt  }
0x4c: {  	_ =	shalt  }
0x4d: {  	_ =	shalt  }
0x4e: {  	_ =	shalt  }
0x4f: {  	_ =	shalt  }
0x50: {  	_ =	shalt  }
0x51: {  	_ =	shalt  }
0x52: {  	_ =	shalt  }
0x53: {  	_ =	shalt  }
0x54: {  	_ =	shalt  }
0x55: {  	_ =	shalt  }
0x56: {  	_ =	shalt  }
0x57: {  	_ =	shalt  }
0x58: {  	_ =	shalt  }
0x59: {  	_ =	shalt  }
0x5a: {  	_ =	shalt  }
0x5b: {  	_ =	shalt  }
0x5c: {  	_ =	shalt  }
0x5d: {  	_ =	shalt  }
0x5e: {  	_ =	shalt  }
0x5f: {  	_ =	shalt  }
0x60: {  	_ =	shalt  }
0x61: {  	_ =	shalt  }
0x62: {  	_ =	shalt  }
0x63: {  	_ =	shalt  }
0x64: {  	_ =	shalt  }
0x65: {  	_ =	shalt  }
0x66: {  	_ =	shalt  }
0x67: {  	_ =	shalt  }
0x68: {  	_ =	shalt  }
0x69: {  	_ =	shalt  }
0x6a: {  	_ =	shalt  }
0x6b: {  	_ =	shalt  }
0x6c: {  	_ =	shalt  }
0x6d: {  	_ =	shalt  }
0x6e: {  	_ =	shalt  }
0x6f: {  	_ =	shalt  }
0x70: {  	_ =	shalt  }
0x71: {  	_ =	shalt  }
0x72: {  	_ =	shalt  }
0x73: {  	_ =	shalt  }
0x74: {  	_ =	shalt  }
0x75: {  	_ =	shalt  }
0x76: {  	_ =	shalt  }
0x77: {  	_ =	shalt  }
0x78: {  	_ =	shalt  }
0x79: {  	_ =	shalt  }
0x7a: {  	_ =	shalt  }
0x7b: {  	_ =	shalt  }
0x7c: {  	_ =	shalt  }
0x7d: {  	_ =	shalt  }
0x7e: {  	_ =	shalt  }
0x7f: {  	_ =	shalt  }
0x80: {  	_ =	shalt  }
0x81: {  	_ =	shalt  }
0x82: {  	_ =	shalt  }
0x83: {  	_ =	shalt  }
0x84: {  	_ =	shalt  }
0x85: {  	_ =	shalt  }
0x86: {  	_ =	shalt  }
0x87: {  	_ =	shalt  }
.Lfunc_end0:
.L_simem_size_0:
called_computation.1_lowered:
.L_overlay_start_0:
0x88: {  	s2 =	sld [smem:$0x3FD9]  }
0x89: {  	s3 =	sld [smem:$0x3FFE];
	_ =	sdelay $0x1  }
0x8a: {  	s1 =	srdreg.scid  }
0x8b: {  	s0 =	sand.u32 $0x1, s1  }
0x8c: {  	s16 =	sshll.u32 s0, $0xA;
	s2 =	sadd.s32 s3, s2  }
0x8d: {  	s2 =	sadd.s32 s2, s16  }
0x8e: {  	[smem:$0x3FAE] =	sst s2  }
0x8f: {  	_ = 	snop  }
0x90: {  	(tm) =	ssettm $0x1  }
0x91: {  	s17 =	sld [smem:$0x3FFB];
	_ =	sdelay $0x3  }
0x92: {  	_ =	strace s17  }
0x93: {  	s2 =	sld [smem:$0x3FFC];
	_ =	sdelay $0x3  }
0x94: {  	_ =	strace s2  }
0x95: {  	s2 =	sld [smem:$0x3FFD];
	_ =	sdelay $0x3  }
0x96: {  	_ =	strace s2  }
0x97: {  	_ =	strace $0x8FFFFFFF  }
0x98: {  	s18 =	sld [smem:$0x3FDB];
	_ =	sdelay $0x1  }
0x99: {  	s19 =	simm.s32 $_scs_section_size  }
0x9a: {  	s4 =	simm.s32 $_size__tile_overlayer_lowered;
	s5 =	simm.s32 $_tile_overlayer_lowered  }
0x9b: {  	s22 =	simm.s32 $0x1BFF;
	s21 =	sshll.u32 s5, $0x1;
	s2 =	sadd.s32 s19, s18  }
0x9c: {  	s6 =	simm.s32 $0x0;
	s20 =	sshll.u32 s4, $0x1;
	s4 =	sadd.s32 s21, s2  }
0x9d: {  	[timem:s6], [sflag:s22] =	dma.local [hbm:s4], s20  }
0x9e: {  	_ =	swait.ge [sflag:s22], s20  }
0x9f: {  	s3 =	ssub.s32 $0x0, s20;
	[sflag:s22] =	ssyncset.done $0x0  }
0xa0: {  	[sflag:s22] =	ssyncadd.s32 s3;
	_ =	sdelay $0x1  }
0xa1: {  	s23 =	simm.s32 $0x1B8B  }
0xa2: {  	_ =	swait.ge [sflag:s23], $0x1  }
0xa3: {  	[sflag:s23] =	ssyncset.done $0x0  }
0xa4: {  	s25 =	simm.s32 $0x1B8E;
	s24 =	sld [smem:$0x3FFE];
	[sflag:s23] =	ssyncadd.s32 $0xFFFFFFFF  }
0xa5: {  	s26 =	simm.s32 $execute0_lowered;
	[smem:$0x3FD2] =	sst s25  }
0xa6: {  	s4 =	sshll.u32 s26, $0x1;
	_ =	strace $0x80000049;
	[dreg:$0x1] =	wrdreg $0xFFFFFFFF  }
0xa7: {  	s28 =	simm.s32 $_size_execute0_lowered;
	s2 =	sadd.s32 s2, s4;
	[dreg:$0x0] =	wrdreg $0x0  }
0xa8: {  	s4 =	sshll.u32 s28, $0x1;
	[dreg:$0x2] =	wrdreg s2  }
0xa9: {  	[dreg:$0x3] =	wrdreg s4  }
0xaa: {  	[dreg:$0x4] =	wrdreg $0xC0  }
0xab: {  	_ =	task [dreg:s6], $0x5FFFF  }
0xac: {  	[dreg:$0x1] =	wrdreg $0xFFFFFFFF  }
0xad: {  	[dreg:$0x0] =	wrdreg $0x60  }
0xae: {  	[dreg:$0x2] =	wrdreg s24  }
0xaf: {  	[dreg:$0x3] =	wrdreg $0x50A00  }
0xb0: {  	[dreg:$0x4] =	wrdreg $0x9  }
0xb1: {  	_ =	task.clear_ibuf [dreg:s6], $0x5FFFF;
	_ =	strace $0x90000049  }
0xb2: {  	s29 =	simm.s32 $0x9;
	_ =	strace $0x8000004B  }
0xb3: {  	_ =	swait.ge [sflag:s29], $0x1  }
0xb4: {  	[sflag:s29] =	ssyncadd.s32 $0xFFFFFFFF  }
0xb5: {  	_ =	strace $0x9000004B  }
0xb6: {  	_ =	sfence  }
0xb7: {  	s30 =	sld [smem:$0x0];
	_ =	sdelay $0x2  }
0xb8: {  	s31 =	sshll.u32 s1, $0xD;
	s1 =	sshrl.u32 s1, $0x2  }
0xb9: {  	s3 =	sand.u32 $0x4000, s31;
	s1 =	sadd.s32 s1, s30  }
0xba: {  	s0 =	sor.u32 s3, s0;
	s1 =	sshll.u32 s1, $0x11  }
0xbb: {  	s0 =	sor.u32 s1, s0  }
0xbc: {  	s0 =	sadd.s32 $0x8F2B, s0  }
0xbd: {  	[sflag:s0] =	ssyncadd.remote.s32 $0x1  }
0xbe: {  	_ =	sfence.sel $0xFFFF  }
0xbf: {  	[dreg:$0x0] =	wrdreg $0xFFFFFFFF;
	(pc) =	sbr.abs _section_cstart, $3  }
0xc0: {  	[dreg:$0x1] =	wrdreg $0xFFFFFFFF  }
0xc1: {  	_ =	task.clear_ibuf [dreg:s6], $0x2FFFF;
	_ =	strace $0x9FFFFFFF  }
0xc2: {  	(tm) =	ssettm $0x7FFFFFFF  }
0xc3: {  	_ =	shalt  }
tec
execute0_lowered:
.L_overlay_start_1:
0x0: {  	(tag) =	ssettag $0x1  }
0x1: {  	s6 =	rddreg [dreg:$0x0];
	s0 =	srdreg.scid  }
0x2: {  	s2 =	rddreg [dreg:$0x1];
	s1 =	stileid.u32  }
0x3: {  	s3 =	simm.s32 $0x0;
	s14 =	simm.s32 $0x50;
	s15 =	simm.s32 $0x4E20  }
0x4: {  	s16 =	simm.s32 $0x1;
	s5 =	sand.u32 $0x1, s0;
	s0 =	rddreg [dreg:$0x2]  }
0x5: {  	s17 =	simm.s32 $0x0;
	s8 =	smul.u32 $0x13C0, s1;
	[smem:$0x7FF] =	sst s3  }
0x6: {  	s12 =	sshll.u32 s1, $0x6;
	s4 =	sshll.u32 s5, $0x4;
	s7 =	smul.u32 $0x13C00, s5  }
0x7: {  	_ =	strace $0x8000004A;
	s10 =	ssub.s32 $0x2, s5;
	s5 =	sadd.s32 $0x1AA00, s6  }
0x8: {  	s12 =	sor.u32 $0x1C02, s12;
	s4 =	sor.u32 s1, s4;
	s31 =	sshrl.u32 s10, $0x1  }
0x9: {  	s13 =	sadd.s32 s8, s2;
	s9 =	smul.u32 $0x4E2, s4;
	s7 =	sadd.s32 s8, s7  }
0xa: {  	s4 =	sadd.s32 $0x18200, s6;
	s10 =	ssub.s32 s10, s31;
	s7 =	sshrl.u32 s7, $0x3  }
0xb: {  	s13 =	sshrl.u32 s13, $0x3;
	s9 =	sadd.s32 s9, s6;
	s11 =	sadd.s32 s7, s6  }
0xc: {  	s6 =	sadd.s32 $0xE400, s9;
	s7 =	sadd.s32 $0x4600, s9;
	s8 =	sadd.s32 $0x1AE00, s11  }
0xd: {  	s9 =	smax.u32 s10, $0x1;
	s10 =	simm.s32 $0x2;
	s11 =	simm.s32 $0x2710  }
.LBB2_1:
0xe: {  	[tilespmem:s3], [sflag:$0x2] =	stream.linear.gather [hbm4b:s6+s3], $0x2710, $0x38;
	[tilespmem:$0x6460] =	vst v63  }
0xf: {  	_ =	swait.ge [sflag:s10], $0x2710  }
0x10: {  	[sflag:s10] =	ssyncset.done $0x0  }
0x11: {  	[sflag:s10] =	ssyncadd.s32 $0xFFFFD8F0  }
0x12: {  	[tilespmem:s11], [sflag:$0x2] =	stream.linear.gather [hbm4b:s7+s3], $0x2710, $0x38;
	[tilespmem:$0x6460] =	vst v63  }
0x13: {  	_ =	swait.ge [sflag:s10], $0x2710  }
0x14: {  	[sflag:s10] =	ssyncset.done $0x0  }
0x15: {  	[sflag:s10] =	ssyncadd.s32 $0xFFFFD8F0  }
0x16: {  	[spmem:s13], [sflag:s12] =	dma.local [hbm:s5], $0x278  }
0x17: {  	_ =	swait.ge [sflag:s10], $0x278  }
0x18: {  	[sflag:s10] =	ssyncset.done $0x0  }
0x19: {  	[sflag:s10] =	ssyncadd.s32 $0xFFFFFD88  }
0x1a: {  	s18 =	simm.s32 $0x0;
	[bflag:$0x0] =	sbarrier.arrive $0xFFFF  }
0x1b: {  	[tilespmem:s15], [sflag:$0x1] =	stream.indirect.gather [hbm4b:s4+s14], $0x8, s18, s14, $0xb8;
	[tilespmem:$0x6460] =	vst v63  }
0x1c: {  	_ =	swait.ge [sflag:s16], $0x280  }
0x1d: {  	[sflag:s16] =	ssyncset.done $0x0  }
0x1e: {  	s31 =	simm.s32 $0x2710;
	[sflag:s16] =	ssyncadd.s32 $0xFFFFFD80  }
0x1f: {  	[spmem:s2] =	stream.indirect.scatter.add.f32 [tilespmem:s15], [sflag:$0x2], $0x8, s31, s14, $0xb8;
	[tilespmem:$0x6460] =	vst v63  }
0x20: {  	_ =	swait.ge [sflag:s10], $0x280  }
0x21: {  	s19 =	simm.s32 $0x280;
	s18 =	simm.s32 $0x140;
	[sflag:s10] =	ssyncset.done $0x0  }
.LBB2_2:
0x22: {  	s20 =	sshra.s32 s18, $0x2  }
0x23: {  	[sflag:s10] =	ssyncadd.s32 $0xFFFFFD80;
	s18 =	smov.u32 s19;
	s21 =	sadd.s32 $0x140, s19  }
0x24: {  	[tilespmem:s15], [sflag:$0x1] =	stream.indirect.gather [hbm4b:s4+s14], $0x8, s20, s14, $0xb8;
	[tilespmem:$0x6460] =	vst v63  }
0x25: {  	p0 =	sne.s32 s19, $0x9B00;
	_ =	swait.ge [sflag:s16], $0x280  }
.Ltmp0:
0x26: {  	[sflag:s16] =	ssyncset.done $0x0;
	(pc) =	sbr.rel @p0 .LBB2_2-.Ltmp0, $4  }
0x27: {  	s19 =	sadd.s32 $0x2710, s20;
	[sflag:s16] =	ssyncadd.s32 $0xFFFFFD80  }
0x28: {  	[spmem:s2] =	stream.indirect.scatter.add.f32 [tilespmem:s15], [sflag:$0x2], $0x8, s19, s14, $0xb8;
	[tilespmem:$0x6460] =	vst v63  }
0x29: {  	_ =	swait.ge [sflag:s10], $0x280  }
0x2a: {  	s19 =	smov.u32 s21;
	[sflag:s10] =	ssyncset.done $0x0  }
0x2b: {  	s18 =	sshra.s32 s18, $0x2;
	[sflag:s10] =	ssyncadd.s32 $0xFFFFFD80  }
0x2c: {  	[tilespmem:s15], [sflag:$0x1] =	stream.indirect.gather [hbm4b:s4+s14], $0x8, s18, s14, $0xb8;
	[tilespmem:$0x6460] =	vst v63  }
0x2d: {  	_ =	swait.ge [sflag:s16], $0x280  }
0x2e: {  	[sflag:s16] =	ssyncset.done $0x0  }
0x2f: {  	s18 =	sadd.s32 $0x2710, s18;
	[sflag:s16] =	ssyncadd.s32 $0xFFFFFD80  }
0x30: {  	[spmem:s2] =	stream.indirect.scatter.add.f32 [tilespmem:s15], [sflag:$0x2], $0x8, s18, s14, $0xb8;
	[tilespmem:$0x6460] =	vst v63  }
0x31: {  	_ =	swait.ge [sflag:s10], $0x280  }
0x32: {  	s17 =	sadd.s32 $0x1, s17;
	[sflag:s10] =	ssyncset.done $0x0  }
0x33: {  	p0 =	sne.s32 s17, s9;
	[sflag:s10] =	ssyncadd.s32 $0xFFFFFD80  }
.Ltmp1:
0x34: {  	[bflag:$0x0] =	sbarrier.arrive $0xFFFF;
	(pc) =	sbr.rel @p0 .LBB2_1-.Ltmp1, $4  }
0x35: {  	[hbm:s8], [sflag:s12] =	dma.local [spmem:s13], $0x278  }
0x36: {  	_ =	swait.ge [sflag:s10], $0x278  }
0x37: {  	[sflag:s10] =	ssyncset.done $0x0  }
0x38: {  	[sflag:s10] =	ssyncadd.s32 $0xFFFFFD88  }
0x39: {  	_ =	sfence.sel $0x180000  }
0x3a: {  	[bflag:$0x0] =	sbarrier.arrive $0xFFFF  }
0x3b: {  	p0 =	sne.s32 s1, $0x0;
	_ =	strace $0x9000004A  }
0x3c: {  	s0 =	sadd.s32 @!p0 $0x100000, s0;
	[bflag:$0x2] =	sbarrier.arrive $0xFFFF  }
0x3d: {  	[sflag:s0] =	ssyncadd.tile.s32 @!p0 $0x1;
	_ =	shalt  }
.Lfunc_end2:
_tile_overlayer_lowered:
.L_overlay_start_2:
0x3e: {  	(tag) =	ssettag $0x2  }
0x3f: {  	s0 =	rddreg [dreg:$0x0];
	s2 =	stileid.u32  }
0x40: {  	s1 =	rddreg [dreg:$0x1];
	p0 =	sne.s32 s2, $0x0  }
0x41: {  	s3 =	rddreg [dreg:$0x2];
	[bflag:$0x3] =	sbarrier.arrive $0xFFFF;
	s2 =	simm.s32 @!p0 $0x1C02  }
0x42: {  	[timem:s3], [sflag:s2] =	dma.local @!p0 [hbm:s0], s1  }
0x43: {  	s0 =	simm.s32 @!p0 $0x2  }
0x44: {  	_ =	swait.ge @!p0 [sflag:s0], s1  }
0x45: {  	s1 =	ssub.s32 @!p0 $0x0, s1;
	[sflag:s0] =	ssyncset.done @!p0 $0x0  }
0x46: {  	[sflag:s0] =	ssyncadd.s32 @!p0 s1  }
0x47: {  	[bflag:$0x3] =	sbarrier.arrive $0xFFFF  }
0x48: {  	_ =	shalt  }

</sc_bundles>
